<compile_context>
chip_gen: v7x
topology: tpu7x:2x2x1
jax: 0.10.2.dev20260603
libtpu: 0.0.44.dev20260713+nightly
codegen_flags: <defaults>
</compile_context>

<pallas_src>
import functools

import jax
import jax.numpy as jnp
from jax import lax
from jax.experimental import pallas as pl
from jax.experimental.pallas import tpu as pltpu
from jax.experimental.pallas import tpu_sc as plsc

K = 16
NEG_INF = float("-inf")
HI = lax.Precision.HIGHEST


def _gelu(v):
    return 0.5 * v * (1.0 + lax.erf(v * 0.7071067811865476))


def _topk_idx(p, iota_l):
    N = p.shape[0]
    pp = p * p
    rcol = jnp.sum(pp, axis=1, keepdims=True)
    rrow = jnp.reshape(jnp.sum(pp, axis=1), (1, N))
    m = lax.dot_general(p, p, (((1,), (1,)), ((), ())), precision=HI)
    nd = -(rcol - 2.0 * m + rrow + 1e-05)
    sels = []
    for _ in range(K + 1):
        sel = jnp.argmax(nd, axis=1).astype(jnp.int32)[:, None]
        sels.append(sel)
        nd = jnp.where(iota_l == sel, NEG_INF, nd)
    return sels


def _idx_out(sels, base, N):
    idxmat = jnp.concatenate(sels[1:], axis=1)
    return jnp.transpose(idxmat, (1, 0)) + base


def _mlp(g0_ref, f, W1, b1, W2, b2, prec):
    N, F = f.shape
    W1a = W1[:F, :]
    W1d = W1[F:, :] - W1a
    cterm = lax.dot_general(f, W1d, (((1,), (0,)), ((), ())),
                            precision=prec) + b1
    acc = None
    for k in range(K):
        g = g0_ref[0, pl.ds(k * N, N), :F]
        h1 = _gelu(lax.dot_general(g, W1a, (((1,), (0,)), ((), ())),
                                   precision=prec) + cterm)
        h2 = _gelu(lax.dot_general(h1, W2, (((1,), (0,)), ((), ())),
                                   precision=prec) + b2)
        acc = h2 if acc is None else acc + h2
    return acc * (1.0 / K)


def _body_a(pts_ref, mask_ref, idx_ref):
    pts = pts_ref[0]
    mcol = mask_ref[0]
    N = pts.shape[0]
    shift = 999.0 * (mcol == 0.0).astype(jnp.float32)
    iota_l = lax.broadcasted_iota(jnp.int32, (N, N), 1)
    sels = _topk_idx(shift + pts, iota_l)
    idx_ref[0] = _idx_out(sels, pl.program_id(0) * N, N)


def _body_b(x_ref, g0_ref, mask_ref, W01_ref, b01_ref, W02_ref, b02_ref,
            f1_ref, idx_ref):
    f = x_ref[0]
    mcol = mask_ref[0]
    N = f.shape[0]
    shift = 999.0 * (mcol == 0.0).astype(jnp.float32)
    iota_l = lax.broadcasted_iota(jnp.int32, (N, N), 1)
    f1 = _mlp(g0_ref, f, W01_ref[...], b01_ref[...], W02_ref[...],
              b02_ref[...], HI)
    f1_ref[0] = f1
    sels = _topk_idx(shift + f1, iota_l)
    idx_ref[0] = _idx_out(sels, pl.program_id(0) * N, N)


def _body_c(f1_ref, g1_ref, mask_ref, W11_ref, b11_ref, W12_ref, b12_ref,
            out_ref):
    f1 = f1_ref[0]
    mcol = mask_ref[0]
    f2 = _mlp(g1_ref, f1, W11_ref[...], b11_ref[...], W12_ref[...],
              b12_ref[...], lax.Precision.DEFAULT)
    out_ref[0] = f2 * mcol


def _sc_gather(table, idx):
    R, F = table.shape
    M = idx.shape[0]
    NW = 32
    CH = 128
    per_w = M // NW
    n_chunks = per_w // CH
    mesh = plsc.VectorSubcoreMesh(core_axis_name="c", subcore_axis_name="s")

    @functools.partial(
        pl.kernel, mesh=mesh,
        out_type=jax.ShapeDtypeStruct((M, F), jnp.float32),
        scratch_types=[
            pltpu.VMEM((CH,), jnp.int32),
            pltpu.VMEM((CH, F), jnp.float32),
            pltpu.SemaphoreType.DMA,
        ],
    )
    def sck(table_hbm, idx_hbm, out_hbm, idx_v, rows_v, sem):
        wid = lax.axis_index("s") * 2 + lax.axis_index("c")
        base0 = wid * per_w

        def chunk(i, carry):
            base = base0 + i * CH
            pltpu.sync_copy(idx_hbm.at[pl.ds(base, CH)], idx_v)
            pltpu.async_copy(table_hbm.at[idx_v], rows_v, sem).wait()
            pltpu.sync_copy(rows_v, out_hbm.at[pl.ds(base, CH)])
            return carry

        lax.fori_loop(0, n_chunks, chunk, 0)

    return sck(table, idx)


@functools.partial(jax.jit, static_argnames=())
def kernel(x, points, mask, W01, b01, W02, b02, W11, b11, W12, b12):
    B, N, F = x.shape
    P = W02.shape[1]
    mask_f = mask.astype(jnp.float32)
    b01r = b01.reshape(1, -1)
    b02r = b02.reshape(1, -1)
    b11r = b11.reshape(1, -1)
    b12r = b12.reshape(1, -1)
    full = lambda s: pl.BlockSpec(s, lambda b: (0,) * len(s))
    bs_nf = pl.BlockSpec((1, N, F), lambda b: (b, 0, 0))
    bs_m = pl.BlockSpec((1, N, 1), lambda b: (b, 0, 0))
    bs_idx = pl.BlockSpec((1, K, N), lambda b: (b, 0, 0))
    bs_g = pl.BlockSpec((1, K * N, 128), lambda b: (b, 0, 0))

    idx0 = pl.pallas_call(
        _body_a, grid=(B,),
        in_specs=[pl.BlockSpec((1, N, 3), lambda b: (b, 0, 0)), bs_m],
        out_specs=bs_idx,
        out_shape=jax.ShapeDtypeStruct((B, K, N), jnp.int32),
    )(points, mask_f)

    xp = jnp.concatenate(
        [x.reshape(B * N, F),
         jnp.zeros((B * N, 128 - F), jnp.float32)], axis=1)
    g0 = _sc_gather(xp, idx0.reshape(B * K * N))

    f1, idx1 = pl.pallas_call(
        _body_b, grid=(B,),
        in_specs=[bs_nf, bs_g, bs_m,
                  full(W01.shape), full(b01r.shape),
                  full(W02.shape), full(b02r.shape)],
        out_specs=[bs_nf, bs_idx],
        out_shape=[jax.ShapeDtypeStruct((B, N, F), jnp.float32),
                   jax.ShapeDtypeStruct((B, K, N), jnp.int32)],
    )(x, g0.reshape(B, K * N, 128), mask_f, W01, b01r, W02, b02r)

    f1p = jnp.concatenate(
        [f1.reshape(B * N, F),
         jnp.zeros((B * N, 128 - F), jnp.float32)], axis=1)
    g1 = _sc_gather(f1p, idx1.reshape(B * K * N))

    out = pl.pallas_call(
        _body_c, grid=(B,),
        in_specs=[bs_nf, bs_g, bs_m,
                  full(W11.shape), full(b11r.shape),
                  full(W12.shape), full(b12r.shape)],
        out_specs=pl.BlockSpec((1, N, P), lambda b: (b, 0, 0)),
        out_shape=jax.ShapeDtypeStruct((B, N, P), jnp.float32),
    )(f1, g1.reshape(B, K * N, 128), mask_f, W11, b11r, W12, b12r)
    return out

# --- scband reference (transcript-rebuilt; emitter-appended) ---
"""Pipeline reference for scband-local-embedding-layer-60954175864839 (READ-ONLY COPY).

The authoritative reference and input builder live on the scoring server;
editing this copy changes nothing except your own understanding.
"""

import jax, jax.numpy as jnp
import numpy as np

K = 16

def _block(points, features, W1, b1, W2, b2):
    # pairwise squared distances
    r = jnp.sum(points * points, axis=2, keepdims=True)          # [B,N,1]
    m = jnp.einsum('bnd,bmd->bnm', points, points)               # [B,N,N]
    D = r - 2.0 * m + jnp.transpose(r, (0, 2, 1)) + 1e-05        # [B,N,N]
    _, idx = jax.lax.top_k(-D, K + 1)                            # [B,N,K+1]
    idx = idx[:, :, 1:]                                          # drop self, [B,N,K]
    B = features.shape[0]
    bidx = jnp.arange(B)[:, None, None]
    neighbors = features[bidx, idx]                              # gather [B,N,K,F]
    center = jnp.broadcast_to(features[:, :, None, :], neighbors.shape)
    lf = jnp.concatenate([neighbors - center, center], axis=-1)  # [B,N,K,2F]
    h = jax.nn.gelu(lf @ W1 + b1, approximate=False)
    h = jax.nn.gelu(h @ W2 + b2, approximate=False)
    return jnp.mean(h, axis=2)                                   # [B,N,proj]


def setup_inputs(seed: int = 0) -> dict:
    key = jax.random.key(seed)
    ks = jax.random.split(key, 12)
    B, N, Din, P = 64, 256, 64, 64
    x = jax.random.normal(ks[0], (B, N, Din), dtype=jnp.float32)
    points = jax.random.normal(ks[1], (B, N, 3), dtype=jnp.float32)
    mask = jax.random.randint(ks[2], (B, N, 1), 0, 2, dtype=jnp.int32)
    s = 0.02
    # block 0: in=Din(64), proj=P(64) -> Linear(2*64 -> 2*64), Linear(2*64 -> 64)
    W01 = jax.random.normal(ks[3], (2 * Din, 2 * P), dtype=jnp.float32) * s
    b01 = jnp.zeros((2 * P,), dtype=jnp.float32)
    W02 = jax.random.normal(ks[4], (2 * P, P), dtype=jnp.float32) * s
    b02 = jnp.zeros((P,), dtype=jnp.float32)
    # block 1: in=P(64), proj=P(64)
    W11 = jax.random.normal(ks[5], (2 * P, 2 * P), dtype=jnp.float32) * s
    b11 = jnp.zeros((2 * P,), dtype=jnp.float32)
    W12 = jax.random.normal(ks[6], (2 * P, P), dtype=jnp.float32) * s
    b12 = jnp.zeros((P,), dtype=jnp.float32)
    return {"x": x, "points": points, "mask": mask,
            "W01": W01, "b01": b01, "W02": W02, "b02": b02,
            "W11": W11, "b11": b11, "W12": W12, "b12": b12}


def reference(x, points, mask, W01, b01, W02, b02, W11, b11, W12, b12):
    mask_i = mask.astype(jnp.int32)
    coord_shift = 999.0 * (mask_i == 0).astype(jnp.float32)      # [B,N,1]
    local_features = x
    pts = points
    # block 0
    local_features = _block(coord_shift + pts, local_features, W01, b01, W02, b02)
    pts = local_features
    # block 1
    local_features = _block(coord_shift + pts, local_features, W11, b11, W12, b12)
    return local_features * mask_i.astype(jnp.float32)

if __name__ == "__main__":
    import jax
    _d = setup_inputs()
    print(jax.jit(kernel)(*tuple(_d.values())))

</pallas_src>

<mosaic_0001>
#map = affine_map<(d0, d1) -> (0, 0)>
#map1 = affine_map<(d0, d1) -> (0)>
module attributes {stable_mosaic.version = 14 : i64} {
  func.func @sck(%arg0: i32, %arg1: i32, %arg2: memref<16384x128xf32, #tpu.memory_space<hbm>>, %arg3: memref<262144xi32, #tpu.memory_space<hbm>>, %arg4: memref<262144x128xf32, #tpu.memory_space<hbm>>, %arg5: memref<128xi32, #tpu.memory_space<vmem>>, %arg6: memref<128x128xf32, #tpu.memory_space<vmem>>, %arg7: memref<!tpu.dma_semaphore, #tpu.memory_space<semaphore_mem>>) attributes {dimension_semantics = [#tpu.dimension_semantics<core_parallel>, #tpu.dimension_semantics<subcore_parallel>], iteration_bounds = array<i64: 2, 16>, scalar_prefetch = 0 : i64, scratch_operands = 3 : i64, tpu.core_type = #tpu.core_type<sc_vector_subcore>, window_params = [{transform_indices = #map}, {transform_indices = #map1}, {transform_indices = #map}]} {
    %mul3A = arith.constant 2 : i32
    %mul3A_0 = arith.muli %arg1, %mul3A : i32
    %add3A = arith.addi %mul3A_0, %arg0 : i32
    %mul3A_1 = arith.constant 8192 : i32
    %mul3A_2 = arith.muli %add3A, %mul3A_1 : i32
    %scan3A = arith.constant 0 : i32
    %scan3A_3 = arith.constant 0 : i32
    %scan3A_4 = arith.constant 64 : i32
    %scan3A_5 = arith.addi %scan3A_3, %scan3A_4 : i32
    %scan3A_6 = arith.constant 1 : i32
    scf.for %scan3A_8 = %scan3A_3 to %scan3A_5 step %scan3A_6  : i32 {
      %mul3A_9 = arith.constant 128 : i32
      %mul3A_10 = arith.muli %scan3A_8, %mul3A_9 : i32
      %add3A_11 = arith.addi %mul3A_2, %mul3A_10 : i32
      "tpu.region"() ({
        %run_scoped3A = tpu.sem_alloc : memref<!tpu.dma_semaphore, #tpu.memory_space<semaphore_mem>>
        %dma_start3A_16 = tpu.memref_slice %arg3[%add3A_11] : memref<262144xi32, #tpu.memory_space<hbm>> -> memref<128xi32, #tpu.memory_space<hbm>>
        %dma_start3A_17 = tpu.memref_slice %arg3[%add3A_11] : memref<262144xi32, #tpu.memory_space<hbm>> -> memref<128xi32, #tpu.memory_space<hbm>>
        tpu.enqueue_dma source(%dma_start3A_17 : memref<128xi32, #tpu.memory_space<hbm>>) target(%arg5 : memref<128xi32, #tpu.memory_space<vmem>>) target_semaphore(%run_scoped3A : memref<!tpu.dma_semaphore, #tpu.memory_space<semaphore_mem>>)
        %dma_wait3A_18 = tpu.memref_slice %arg3[%add3A_11] : memref<262144xi32, #tpu.memory_space<hbm>> -> memref<128xi32, #tpu.memory_space<hbm>>
        %dma_wait3A_19 = tpu.memref_slice %arg3[%add3A_11] : memref<262144xi32, #tpu.memory_space<hbm>> -> memref<128xi32, #tpu.memory_space<hbm>>
        tpu.wait_dma2 semaphore(%run_scoped3A : memref<!tpu.dma_semaphore, #tpu.memory_space<semaphore_mem>>) src(%dma_wait3A_19 : memref<128xi32, #tpu.memory_space<hbm>>) dst(%arg5 : memref<128xi32, #tpu.memory_space<vmem>>)
        tpu.yield
      }) : () -> ()
      %dma_start3A = arith.constant 0 : i32
      %dma_start3A_12 = arith.constant 0 : i32
      %dma_start3A_13 = tpu.memref_slice %arg2[%dma_start3A, %dma_start3A_12] : memref<16384x128xf32, #tpu.memory_space<hbm>> -> memref<16384x128xf32, #tpu.memory_space<hbm>>
      tpu.enqueue_indirect_dma source(%dma_start3A_13 : memref<16384x128xf32, #tpu.memory_space<hbm>>) target(%arg6 : memref<128x128xf32, #tpu.memory_space<vmem>>) offsets(%arg5 : memref<128xi32, #tpu.memory_space<vmem>>) semaphore(%arg7 : memref<!tpu.dma_semaphore, #tpu.memory_space<semaphore_mem>>)
      %dma_wait3A = arith.constant 0 : i32
      %dma_wait3A_14 = arith.constant 0 : i32
      %dma_wait3A_15 = tpu.memref_slice %arg2[%dma_wait3A, %dma_wait3A_14] : memref<16384x128xf32, #tpu.memory_space<hbm>> -> memref<16384x128xf32, #tpu.memory_space<hbm>>
      tpu.wait_indirect_dma semaphore(%arg7 : memref<!tpu.dma_semaphore, #tpu.memory_space<semaphore_mem>>) src(%dma_wait3A_15 : memref<16384x128xf32, #tpu.memory_space<hbm>>) dst(%arg6 : memref<128x128xf32, #tpu.memory_space<vmem>>)
      "tpu.region"() ({
        %run_scoped3A = tpu.sem_alloc : memref<!tpu.dma_semaphore, #tpu.memory_space<semaphore_mem>>
        %dma_start3A_16 = arith.constant 0 : i32
        %dma_start3A_17 = tpu.memref_slice %arg4[%add3A_11, %dma_start3A_16] : memref<262144x128xf32, #tpu.memory_space<hbm>> -> memref<128x128xf32, #tpu.memory_space<hbm>>
        %dma_start3A_18 = arith.constant 0 : i32
        %dma_start3A_19 = tpu.memref_slice %arg4[%add3A_11, %dma_start3A_18] : memref<262144x128xf32, #tpu.memory_space<hbm>> -> memref<128x128xf32, #tpu.memory_space<hbm>>
        tpu.enqueue_dma source(%arg6 : memref<128x128xf32, #tpu.memory_space<vmem>>) target(%dma_start3A_19 : memref<128x128xf32, #tpu.memory_space<hbm>>) target_semaphore(%run_scoped3A : memref<!tpu.dma_semaphore, #tpu.memory_space<semaphore_mem>>)
        %dma_wait3A_20 = arith.constant 0 : i32
        %dma_wait3A_21 = tpu.memref_slice %arg4[%add3A_11, %dma_wait3A_20] : memref<262144x128xf32, #tpu.memory_space<hbm>> -> memref<128x128xf32, #tpu.memory_space<hbm>>
        %dma_wait3A_22 = arith.constant 0 : i32
        %dma_wait3A_23 = tpu.memref_slice %arg4[%add3A_11, %dma_wait3A_22] : memref<262144x128xf32, #tpu.memory_space<hbm>> -> memref<128x128xf32, #tpu.memory_space<hbm>>
        tpu.wait_dma2 semaphore(%run_scoped3A : memref<!tpu.dma_semaphore, #tpu.memory_space<semaphore_mem>>) src(%arg6 : memref<128x128xf32, #tpu.memory_space<vmem>>) dst(%dma_wait3A_23 : memref<128x128xf32, #tpu.memory_space<hbm>>)
        tpu.yield
      }) : () -> ()
    }
    %scan3A_7 = arith.constant 64 : i32
    return
  }
}

#map = affine_map<(d0, d1) -> (0, 0)>
#map1 = affine_map<(d0, d1) -> (0)>
module attributes {stable_mosaic.version = 14 : i64} {
  func.func @sck(%arg0: i32, %arg1: i32, %arg2: memref<16384x128xf32, #tpu.memory_space<hbm>>, %arg3: memref<262144xi32, #tpu.memory_space<hbm>>, %arg4: memref<262144x128xf32, #tpu.memory_space<hbm>>, %arg5: memref<128xi32, #tpu.memory_space<vmem>>, %arg6: memref<128x128xf32, #tpu.memory_space<vmem>>, %arg7: memref<!tpu.dma_semaphore, #tpu.memory_space<semaphore_mem>>) attributes {dimension_semantics = [#tpu.dimension_semantics<core_parallel>, #tpu.dimension_semantics<subcore_parallel>], iteration_bounds = array<i64: 2, 16>, scalar_prefetch = 0 : i64, scratch_operands = 3 : i64, tpu.core_type = #tpu.core_type<sc_vector_subcore>, window_params = [{transform_indices = #map}, {transform_indices = #map1}, {transform_indices = #map}]} {
    %mul3A = arith.constant 2 : i32
    %mul3A_0 = arith.muli %arg1, %mul3A : i32
    %add3A = arith.addi %mul3A_0, %arg0 : i32
    %mul3A_1 = arith.constant 8192 : i32
    %mul3A_2 = arith.muli %add3A, %mul3A_1 : i32
    %scan3A = arith.constant 0 : i32
    %scan3A_3 = arith.constant 0 : i32
    %scan3A_4 = arith.constant 64 : i32
    %scan3A_5 = arith.addi %scan3A_3, %scan3A_4 : i32
    %scan3A_6 = arith.constant 1 : i32
    scf.for %scan3A_8 = %scan3A_3 to %scan3A_5 step %scan3A_6  : i32 {
      %mul3A_9 = arith.constant 128 : i32
      %mul3A_10 = arith.muli %scan3A_8, %mul3A_9 : i32
      %add3A_11 = arith.addi %mul3A_2, %mul3A_10 : i32
      "tpu.region"() ({
        %run_scoped3A = tpu.sem_alloc : memref<!tpu.dma_semaphore, #tpu.memory_space<semaphore_mem>>
        %dma_start3A_16 = tpu.memref_slice %arg3[%add3A_11] : memref<262144xi32, #tpu.memory_space<hbm>> -> memref<128xi32, #tpu.memory_space<hbm>>
        %dma_start3A_17 = tpu.memref_slice %arg3[%add3A_11] : memref<262144xi32, #tpu.memory_space<hbm>> -> memref<128xi32, #tpu.memory_space<hbm>>
        tpu.enqueue_dma source(%dma_start3A_17 : memref<128xi32, #tpu.memory_space<hbm>>) target(%arg5 : memref<128xi32, #tpu.memory_space<vmem>>) target_semaphore(%run_scoped3A : memref<!tpu.dma_semaphore, #tpu.memory_space<semaphore_mem>>)
        %dma_wait3A_18 = tpu.memref_slice %arg3[%add3A_11] : memref<262144xi32, #tpu.memory_space<hbm>> -> memref<128xi32, #tpu.memory_space<hbm>>
        %dma_wait3A_19 = tpu.memref_slice %arg3[%add3A_11] : memref<262144xi32, #tpu.memory_space<hbm>> -> memref<128xi32, #tpu.memory_space<hbm>>
        tpu.wait_dma2 semaphore(%run_scoped3A : memref<!tpu.dma_semaphore, #tpu.memory_space<semaphore_mem>>) src(%dma_wait3A_19 : memref<128xi32, #tpu.memory_space<hbm>>) dst(%arg5 : memref<128xi32, #tpu.memory_space<vmem>>)
        tpu.yield
      }) : () -> ()
      %dma_start3A = arith.constant 0 : i32
      %dma_start3A_12 = arith.constant 0 : i32
      %dma_start3A_13 = tpu.memref_slice %arg2[%dma_start3A, %dma_start3A_12] : memref<16384x128xf32, #tpu.memory_space<hbm>> -> memref<16384x128xf32, #tpu.memory_space<hbm>>
      tpu.enqueue_indirect_dma source(%dma_start3A_13 : memref<16384x128xf32, #tpu.memory_space<hbm>>) target(%arg6 : memref<128x128xf32, #tpu.memory_space<vmem>>) offsets(%arg5 : memref<128xi32, #tpu.memory_space<vmem>>) semaphore(%arg7 : memref<!tpu.dma_semaphore, #tpu.memory_space<semaphore_mem>>)
      %dma_wait3A = arith.constant 0 : i32
      %dma_wait3A_14 = arith.constant 0 : i32
      %dma_wait3A_15 = tpu.memref_slice %arg2[%dma_wait3A, %dma_wait3A_14] : memref<16384x128xf32, #tpu.memory_space<hbm>> -> memref<16384x128xf32, #tpu.memory_space<hbm>>
      tpu.wait_indirect_dma semaphore(%arg7 : memref<!tpu.dma_semaphore, #tpu.memory_space<semaphore_mem>>) src(%dma_wait3A_15 : memref<16384x128xf32, #tpu.memory_space<hbm>>) dst(%arg6 : memref<128x128xf32, #tpu.memory_space<vmem>>)
      "tpu.region"() ({
        %run_scoped3A = tpu.sem_alloc : memref<!tpu.dma_semaphore, #tpu.memory_space<semaphore_mem>>
        %dma_start3A_16 = arith.constant 0 : i32
        %dma_start3A_17 = tpu.memref_slice %arg4[%add3A_11, %dma_start3A_16] : memref<262144x128xf32, #tpu.memory_space<hbm>> -> memref<128x128xf32, #tpu.memory_space<hbm>>
        %dma_start3A_18 = arith.constant 0 : i32
        %dma_start3A_19 = tpu.memref_slice %arg4[%add3A_11, %dma_start3A_18] : memref<262144x128xf32, #tpu.memory_space<hbm>> -> memref<128x128xf32, #tpu.memory_space<hbm>>
        tpu.enqueue_dma source(%arg6 : memref<128x128xf32, #tpu.memory_space<vmem>>) target(%dma_start3A_19 : memref<128x128xf32, #tpu.memory_space<hbm>>) target_semaphore(%run_scoped3A : memref<!tpu.dma_semaphore, #tpu.memory_space<semaphore_mem>>)
        %dma_wait3A_20 = arith.constant 0 : i32
        %dma_wait3A_21 = tpu.memref_slice %arg4[%add3A_11, %dma_wait3A_20] : memref<262144x128xf32, #tpu.memory_space<hbm>> -> memref<128x128xf32, #tpu.memory_space<hbm>>
        %dma_wait3A_22 = arith.constant 0 : i32
        %dma_wait3A_23 = tpu.memref_slice %arg4[%add3A_11, %dma_wait3A_22] : memref<262144x128xf32, #tpu.memory_space<hbm>> -> memref<128x128xf32, #tpu.memory_space<hbm>>
        tpu.wait_dma2 semaphore(%run_scoped3A : memref<!tpu.dma_semaphore, #tpu.memory_space<semaphore_mem>>) src(%arg6 : memref<128x128xf32, #tpu.memory_space<vmem>>) dst(%dma_wait3A_23 : memref<128x128xf32, #tpu.memory_space<hbm>>)
        tpu.yield
      }) : () -> ()
    }
    %scan3A_7 = arith.constant 64 : i32
    return
  }
}

module attributes {stable_mosaic.version = 14 : i64} {
  func.func @_body_a(%arg0: i32, %arg1: memref<1x256x3xf32, #tpu.memory_space<vmem>>, %arg2: memref<1x256x1xf32, #tpu.memory_space<vmem>>, %arg3: memref<1x16x256xi32, #tpu.memory_space<vmem>>) attributes {dimension_semantics = [#tpu.dimension_semantics<arbitrary>], iteration_bounds = array<i64: 64>, scalar_prefetch = 0 : i64, scratch_operands = 0 : i64, tpu.core_type = #tpu.core_type<tc>, window_params = [{transform_indices = @transform_0, window_bounds = array<i64: 1, 256, 3>}, {transform_indices = @transform_1, window_bounds = array<i64: 1, 256, 1>}, {transform_indices = @transform_2, window_bounds = array<i64: 1, 16, 256>}]} {
    %get3A = arith.constant 0 : index
    %get3A_0 = arith.constant 0 : index
    %get3A_1 = arith.constant 0 : index
    %get3A_2 = vector.load %arg1[%get3A, %get3A_0, %get3A_1] : memref<1x256x3xf32, #tpu.memory_space<vmem>>, vector<1x256x3xf32>
    %get3A_3 = vector.shape_cast %get3A_2 : vector<1x256x3xf32> to vector<256x3xf32>
    %get3A_4 = arith.constant 0 : index
    %get3A_5 = arith.constant 0 : index
    %get3A_6 = arith.constant 0 : index
    %get3A_7 = vector.load %arg2[%get3A_4, %get3A_5, %get3A_6] : memref<1x256x1xf32, #tpu.memory_space<vmem>>, vector<1x256x1xf32>
    %get3A_8 = vector.shape_cast %get3A_7 : vector<1x256x1xf32> to vector<256x1xf32>
    %eq3A = arith.constant 0.000000e+00 : f32
    %eq3A_9 = vector.broadcast %eq3A : f32 to vector<256x1xf32>
    %eq3A_10 = arith.cmpf oeq, %get3A_8, %eq3A_9 : vector<256x1xf32>
    %convert_element_type3A = arith.extui %eq3A_10 : vector<256x1xi1> to vector<256x1xi32>
    %convert_element_type3A_11 = arith.sitofp %convert_element_type3A : vector<256x1xi32> to vector<256x1xf32>
    %mul3A = arith.constant 9.990000e+02 : f32
    %mul3A_12 = vector.broadcast %mul3A : f32 to vector<256x1xf32>
    %mul3A_13 = arith.mulf %mul3A_12, %convert_element_type3A_11 : vector<256x1xf32>
    %iota3A = tpu.iota {dimensions = array<i32: 1>} : vector<256x256xi32>
    %add3A = vector.broadcast %mul3A_13 : vector<256x1xf32> to vector<256x3xf32>
    %add3A_14 = arith.addf %add3A, %get3A_3 : vector<256x3xf32>
    %mul3A_15 = arith.mulf %add3A_14, %add3A_14 : vector<256x3xf32>
    %reduce_sum3A = arith.constant dense<0.000000e+00> : vector<256xf32>
    %reduce_sum3A_16 = vector.multi_reduction <add>, %mul3A_15, %reduce_sum3A [1] : vector<256x3xf32> to vector<256xf32>
    %broadcast_in_dim3A = vector.shape_cast %reduce_sum3A_16 : vector<256xf32> to vector<256x1xf32>
    %reduce_sum3A_17 = arith.constant dense<0.000000e+00> : vector<256xf32>
    %reduce_sum3A_18 = vector.multi_reduction <add>, %mul3A_15, %reduce_sum3A_17 [1] : vector<256x3xf32> to vector<256xf32>
    %reshape3A = vector.shape_cast %reduce_sum3A_18 : vector<256xf32> to vector<1x256xf32>
    %dot_general3A = arith.constant dense<0.000000e+00> : vector<256x256xf32>
    %dot_general3A_19 = tpu.matmul %add3A_14, %add3A_14, %dot_general3A {dimension_numbers = #tpu.dot_dimension_numbers<[1], [1], [0], [0], [0, 0, 1, 0], [], []>, precision = #tpu.contract_precision<fp32>, transpose_lhs_hint = false} : vector<256x3xf32>, vector<256x3xf32>, vector<256x256xf32> -> vector<256x256xf32>
    %mul3A_20 = arith.constant 2.000000e+00 : f32
    %mul3A_21 = vector.broadcast %mul3A_20 : f32 to vector<256x256xf32>
    %mul3A_22 = arith.mulf %mul3A_21, %dot_general3A_19 : vector<256x256xf32>
    %sub3A = vector.broadcast %broadcast_in_dim3A : vector<256x1xf32> to vector<256x256xf32>
    %sub3A_23 = arith.subf %sub3A, %mul3A_22 : vector<256x256xf32>
    %add3A_24 = vector.broadcast %reshape3A : vector<1x256xf32> to vector<256x256xf32>
    %add3A_25 = arith.addf %sub3A_23, %add3A_24 : vector<256x256xf32>
    %add3A_26 = arith.constant 9.99999974E-6 : f32
    %add3A_27 = vector.broadcast %add3A_26 : f32 to vector<256x256xf32>
    %add3A_28 = arith.addf %add3A_25, %add3A_27 : vector<256x256xf32>
    %neg3A = arith.constant 0.000000e+00 : f32
    %neg3A_29 = vector.broadcast %neg3A : f32 to vector<256x256xf32>
    %neg3A_30 = arith.subf %neg3A_29, %add3A_28 : vector<256x256xf32>
    %argmax3A = tpu.reduce_index %neg3A_30 {axis = 1 : i32, kind = #tpu.reduction_kind<arg_max>} : vector<256x256xf32> -> vector<256xi32>
    %broadcast_in_dim3A_31 = vector.shape_cast %argmax3A : vector<256xi32> to vector<256x1xi32>
    %eq3A_32 = vector.broadcast %broadcast_in_dim3A_31 : vector<256x1xi32> to vector<256x256xi32>
    %eq3A_33 = arith.cmpi eq, %iota3A, %eq3A_32 : vector<256x256xi32>
    %jit3A = arith.constant 0xFF800000 : f32
    %broadcast_in_dim3A_34 = vector.broadcast %jit3A : f32 to vector<256x256xf32>
    %select_n3A = arith.select %eq3A_33, %broadcast_in_dim3A_34, %neg3A_30 : vector<256x256xi1>, vector<256x256xf32>
    %argmax3A_35 = tpu.reduce_index %select_n3A {axis = 1 : i32, kind = #tpu.reduction_kind<arg_max>} : vector<256x256xf32> -> vector<256xi32>
    %broadcast_in_dim3A_36 = vector.shape_cast %argmax3A_35 : vector<256xi32> to vector<256x1xi32>
    %eq3A_37 = vector.broadcast %broadcast_in_dim3A_36 : vector<256x1xi32> to vector<256x256xi32>
    %eq3A_38 = arith.cmpi eq, %iota3A, %eq3A_37 : vector<256x256xi32>
    %jit3A_39 = arith.constant 0xFF800000 : f32
    %broadcast_in_dim3A_40 = vector.broadcast %jit3A_39 : f32 to vector<256x256xf32>
    %select_n3A_41 = arith.select %eq3A_38, %broadcast_in_dim3A_40, %select_n3A : vector<256x256xi1>, vector<256x256xf32>
    %argmax3A_42 = tpu.reduce_index %select_n3A_41 {axis = 1 : i32, kind = #tpu.reduction_kind<arg_max>} : vector<256x256xf32> -> vector<256xi32>
    %broadcast_in_dim3A_43 = vector.shape_cast %argmax3A_42 : vector<256xi32> to vector<256x1xi32>
    %eq3A_44 = vector.broadcast %broadcast_in_dim3A_43 : vector<256x1xi32> to vector<256x256xi32>
    %eq3A_45 = arith.cmpi eq, %iota3A, %eq3A_44 : vector<256x256xi32>
    %jit3A_46 = arith.constant 0xFF800000 : f32
    %broadcast_in_dim3A_47 = vector.broadcast %jit3A_46 : f32 to vector<256x256xf32>
    %select_n3A_48 = arith.select %eq3A_45, %broadcast_in_dim3A_47, %select_n3A_41 : vector<256x256xi1>, vector<256x256xf32>
    %argmax3A_49 = tpu.reduce_index %select_n3A_48 {axis = 1 : i32, kind = #tpu.reduction_kind<arg_max>} : vector<256x256xf32> -> vector<256xi32>
    %broadcast_in_dim3A_50 = vector.shape_cast %argmax3A_49 : vector<256xi32> to vector<256x1xi32>
    %eq3A_51 = vector.broadcast %broadcast_in_dim3A_50 : vector<256x1xi32> to vector<256x256xi32>
    %eq3A_52 = arith.cmpi eq, %iota3A, %eq3A_51 : vector<256x256xi32>
    %jit3A_53 = arith.constant 0xFF800000 : f32
    %broadcast_in_dim3A_54 = vector.broadcast %jit3A_53 : f32 to vector<256x256xf32>
    %select_n3A_55 = arith.select %eq3A_52, %broadcast_in_dim3A_54, %select_n3A_48 : vector<256x256xi1>, vector<256x256xf32>
    %argmax3A_56 = tpu.reduce_index %select_n3A_55 {axis = 1 : i32, kind = #tpu.reduction_kind<arg_max>} : vector<256x256xf32> -> vector<256xi32>
    %broadcast_in_dim3A_57 = vector.shape_cast %argmax3A_56 : vector<256xi32> to vector<256x1xi32>
    %eq3A_58 = vector.broadcast %broadcast_in_dim3A_57 : vector<256x1xi32> to vector<256x256xi32>
    %eq3A_59 = arith.cmpi eq, %iota3A, %eq3A_58 : vector<256x256xi32>
    %jit3A_60 = arith.constant 0xFF800000 : f32
    %broadcast_in_dim3A_61 = vector.broadcast %jit3A_60 : f32 to vector<256x256xf32>
    %select_n3A_62 = arith.select %eq3A_59, %broadcast_in_dim3A_61, %select_n3A_55 : vector<256x256xi1>, vector<256x256xf32>
    %argmax3A_63 = tpu.reduce_index %select_n3A_62 {axis = 1 : i32, kind = #tpu.reduction_kind<arg_max>} : vector<256x256xf32> -> vector<256xi32>
    %broadcast_in_dim3A_64 = vector.shape_cast %argmax3A_63 : vector<256xi32> to vector<256x1xi32>
    %eq3A_65 = vector.broadcast %broadcast_in_dim3A_64 : vector<256x1xi32> to vector<256x256xi32>
    %eq3A_66 = arith.cmpi eq, %iota3A, %eq3A_65 : vector<256x256xi32>
    %jit3A_67 = arith.constant 0xFF800000 : f32
    %broadcast_in_dim3A_68 = vector.broadcast %jit3A_67 : f32 to vector<256x256xf32>
    %select_n3A_69 = arith.select %eq3A_66, %broadcast_in_dim3A_68, %select_n3A_62 : vector<256x256xi1>, vector<256x256xf32>
    %argmax3A_70 = tpu.reduce_index %select_n3A_69 {axis = 1 : i32, kind = #tpu.reduction_kind<arg_max>} : vector<256x256xf32> -> vector<256xi32>
    %broadcast_in_dim3A_71 = vector.shape_cast %argmax3A_70 : vector<256xi32> to vector<256x1xi32>
    %eq3A_72 = vector.broadcast %broadcast_in_dim3A_71 : vector<256x1xi32> to vector<256x256xi32>
    %eq3A_73 = arith.cmpi eq, %iota3A, %eq3A_72 : vector<256x256xi32>
    %jit3A_74 = arith.constant 0xFF800000 : f32
    %broadcast_in_dim3A_75 = vector.broadcast %jit3A_74 : f32 to vector<256x256xf32>
    %select_n3A_76 = arith.select %eq3A_73, %broadcast_in_dim3A_75, %select_n3A_69 : vector<256x256xi1>, vector<256x256xf32>
    %argmax3A_77 = tpu.reduce_index %select_n3A_76 {axis = 1 : i32, kind = #tpu.reduction_kind<arg_max>} : vector<256x256xf32> -> vector<256xi32>
    %broadcast_in_dim3A_78 = vector.shape_cast %argmax3A_77 : vector<256xi32> to vector<256x1xi32>
    %eq3A_79 = vector.broadcast %broadcast_in_dim3A_78 : vector<256x1xi32> to vector<256x256xi32>
    %eq3A_80 = arith.cmpi eq, %iota3A, %eq3A_79 : vector<256x256xi32>
    %jit3A_81 = arith.constant 0xFF800000 : f32
    %broadcast_in_dim3A_82 = vector.broadcast %jit3A_81 : f32 to vector<256x256xf32>
    %select_n3A_83 = arith.select %eq3A_80, %broadcast_in_dim3A_82, %select_n3A_76 : vector<256x256xi1>, vector<256x256xf32>
    %argmax3A_84 = tpu.reduce_index %select_n3A_83 {axis = 1 : i32, kind = #tpu.reduction_kind<arg_max>} : vector<256x256xf32> -> vector<256xi32>
    %broadcast_in_dim3A_85 = vector.shape_cast %argmax3A_84 : vector<256xi32> to vector<256x1xi32>
    %eq3A_86 = vector.broadcast %broadcast_in_dim3A_85 : vector<256x1xi32> to vector<256x256xi32>
    %eq3A_87 = arith.cmpi eq, %iota3A, %eq3A_86 : vector<256x256xi32>
    %jit3A_88 = arith.constant 0xFF800000 : f32
    %broadcast_in_dim3A_89 = vector.broadcast %jit3A_88 : f32 to vector<256x256xf32>
    %select_n3A_90 = arith.select %eq3A_87, %broadcast_in_dim3A_89, %select_n3A_83 : vector<256x256xi1>, vector<256x256xf32>
    %argmax3A_91 = tpu.reduce_index %select_n3A_90 {axis = 1 : i32, kind = #tpu.reduction_kind<arg_max>} : vector<256x256xf32> -> vector<256xi32>
    %broadcast_in_dim3A_92 = vector.shape_cast %argmax3A_91 : vector<256xi32> to vector<256x1xi32>
    %eq3A_93 = vector.broadcast %broadcast_in_dim3A_92 : vector<256x1xi32> to vector<256x256xi32>
    %eq3A_94 = arith.cmpi eq, %iota3A, %eq3A_93 : vector<256x256xi32>
    %jit3A_95 = arith.constant 0xFF800000 : f32
    %broadcast_in_dim3A_96 = vector.broadcast %jit3A_95 : f32 to vector<256x256xf32>
    %select_n3A_97 = arith.select %eq3A_94, %broadcast_in_dim3A_96, %select_n3A_90 : vector<256x256xi1>, vector<256x256xf32>
    %argmax3A_98 = tpu.reduce_index %select_n3A_97 {axis = 1 : i32, kind = #tpu.reduction_kind<arg_max>} : vector<256x256xf32> -> vector<256xi32>
    %broadcast_in_dim3A_99 = vector.shape_cast %argmax3A_98 : vector<256xi32> to vector<256x1xi32>
    %eq3A_100 = vector.broadcast %broadcast_in_dim3A_99 : vector<256x1xi32> to vector<256x256xi32>
    %eq3A_101 = arith.cmpi eq, %iota3A, %eq3A_100 : vector<256x256xi32>
    %jit3A_102 = arith.constant 0xFF800000 : f32
    %broadcast_in_dim3A_103 = vector.broadcast %jit3A_102 : f32 to vector<256x256xf32>
    %select_n3A_104 = arith.select %eq3A_101, %broadcast_in_dim3A_103, %select_n3A_97 : vector<256x256xi1>, vector<256x256xf32>
    %argmax3A_105 = tpu.reduce_index %select_n3A_104 {axis = 1 : i32, kind = #tpu.reduction_kind<arg_max>} : vector<256x256xf32> -> vector<256xi32>
    %broadcast_in_dim3A_106 = vector.shape_cast %argmax3A_105 : vector<256xi32> to vector<256x1xi32>
    %eq3A_107 = vector.broadcast %broadcast_in_dim3A_106 : vector<256x1xi32> to vector<256x256xi32>
    %eq3A_108 = arith.cmpi eq, %iota3A, %eq3A_107 : vector<256x256xi32>
    %jit3A_109 = arith.constant 0xFF800000 : f32
    %broadcast_in_dim3A_110 = vector.broadcast %jit3A_109 : f32 to vector<256x256xf32>
    %select_n3A_111 = arith.select %eq3A_108, %broadcast_in_dim3A_110, %select_n3A_104 : vector<256x256xi1>, vector<256x256xf32>
    %argmax3A_112 = tpu.reduce_index %select_n3A_111 {axis = 1 : i32, kind = #tpu.reduction_kind<arg_max>} : vector<256x256xf32> -> vector<256xi32>
    %broadcast_in_dim3A_113 = vector.shape_cast %argmax3A_112 : vector<256xi32> to vector<256x1xi32>
    %eq3A_114 = vector.broadcast %broadcast_in_dim3A_113 : vector<256x1xi32> to vector<256x256xi32>
    %eq3A_115 = arith.cmpi eq, %iota3A, %eq3A_114 : vector<256x256xi32>
    %jit3A_116 = arith.constant 0xFF800000 : f32
    %broadcast_in_dim3A_117 = vector.broadcast %jit3A_116 : f32 to vector<256x256xf32>
    %select_n3A_118 = arith.select %eq3A_115, %broadcast_in_dim3A_117, %select_n3A_111 : vector<256x256xi1>, vector<256x256xf32>
    %argmax3A_119 = tpu.reduce_index %select_n3A_118 {axis = 1 : i32, kind = #tpu.reduction_kind<arg_max>} : vector<256x256xf32> -> vector<256xi32>
    %broadcast_in_dim3A_120 = vector.shape_cast %argmax3A_119 : vector<256xi32> to vector<256x1xi32>
    %eq3A_121 = vector.broadcast %broadcast_in_dim3A_120 : vector<256x1xi32> to vector<256x256xi32>
    %eq3A_122 = arith.cmpi eq, %iota3A, %eq3A_121 : vector<256x256xi32>
    %jit3A_123 = arith.constant 0xFF800000 : f32
    %broadcast_in_dim3A_124 = vector.broadcast %jit3A_123 : f32 to vector<256x256xf32>
    %select_n3A_125 = arith.select %eq3A_122, %broadcast_in_dim3A_124, %select_n3A_118 : vector<256x256xi1>, vector<256x256xf32>
    %argmax3A_126 = tpu.reduce_index %select_n3A_125 {axis = 1 : i32, kind = #tpu.reduction_kind<arg_max>} : vector<256x256xf32> -> vector<256xi32>
    %broadcast_in_dim3A_127 = vector.shape_cast %argmax3A_126 : vector<256xi32> to vector<256x1xi32>
    %eq3A_128 = vector.broadcast %broadcast_in_dim3A_127 : vector<256x1xi32> to vector<256x256xi32>
    %eq3A_129 = arith.cmpi eq, %iota3A, %eq3A_128 : vector<256x256xi32>
    %jit3A_130 = arith.constant 0xFF800000 : f32
    %broadcast_in_dim3A_131 = vector.broadcast %jit3A_130 : f32 to vector<256x256xf32>
    %select_n3A_132 = arith.select %eq3A_129, %broadcast_in_dim3A_131, %select_n3A_125 : vector<256x256xi1>, vector<256x256xf32>
    %argmax3A_133 = tpu.reduce_index %select_n3A_132 {axis = 1 : i32, kind = #tpu.reduction_kind<arg_max>} : vector<256x256xf32> -> vector<256xi32>
    %broadcast_in_dim3A_134 = vector.shape_cast %argmax3A_133 : vector<256xi32> to vector<256x1xi32>
    %eq3A_135 = vector.broadcast %broadcast_in_dim3A_134 : vector<256x1xi32> to vector<256x256xi32>
    %eq3A_136 = arith.cmpi eq, %iota3A, %eq3A_135 : vector<256x256xi32>
    %jit3A_137 = arith.constant 0xFF800000 : f32
    %broadcast_in_dim3A_138 = vector.broadcast %jit3A_137 : f32 to vector<256x256xf32>
    %select_n3A_139 = arith.select %eq3A_136, %broadcast_in_dim3A_138, %select_n3A_132 : vector<256x256xi1>, vector<256x256xf32>
    %argmax3A_140 = tpu.reduce_index %select_n3A_139 {axis = 1 : i32, kind = #tpu.reduction_kind<arg_max>} : vector<256x256xf32> -> vector<256xi32>
    %broadcast_in_dim3A_141 = vector.shape_cast %argmax3A_140 : vector<256xi32> to vector<256x1xi32>
    %mul3A_142 = arith.constant 256 : i32
    %mul3A_143 = arith.muli %arg0, %mul3A_142 : i32
    %concatenate3A = tpu.concatenate %broadcast_in_dim3A_36, %broadcast_in_dim3A_43, %broadcast_in_dim3A_50, %broadcast_in_dim3A_57, %broadcast_in_dim3A_64, %broadcast_in_dim3A_71, %broadcast_in_dim3A_78, %broadcast_in_dim3A_85, %broadcast_in_dim3A_92, %broadcast_in_dim3A_99, %broadcast_in_dim3A_106, %broadcast_in_dim3A_113, %broadcast_in_dim3A_120, %broadcast_in_dim3A_127, %broadcast_in_dim3A_134, %broadcast_in_dim3A_141 in 1 : vector<256x1xi32>, vector<256x1xi32>, vector<256x1xi32>, vector<256x1xi32>, vector<256x1xi32>, vector<256x1xi32>, vector<256x1xi32>, vector<256x1xi32>, vector<256x1xi32>, vector<256x1xi32>, vector<256x1xi32>, vector<256x1xi32>, vector<256x1xi32>, vector<256x1xi32>, vector<256x1xi32>, vector<256x1xi32> -> vector<256x16xi32>
    %transpose3A = tpu.transpose %concatenate3A, [1, 0] : vector<256x16xi32> -> vector<16x256xi32>
    %add3A_144 = vector.broadcast %mul3A_143 : i32 to vector<16x256xi32>
    %add3A_145 = arith.addi %transpose3A, %add3A_144 : vector<16x256xi32>
    %swap3A = arith.constant 0 : index
    %swap3A_146 = arith.constant 0 : index
    %swap3A_147 = arith.constant 0 : index
    %swap3A_148 = vector.load %arg3[%swap3A, %swap3A_146, %swap3A_147] : memref<1x16x256xi32, #tpu.memory_space<vmem>>, vector<1x16x256xi32>
    %swap3A_149 = vector.shape_cast %swap3A_148 : vector<1x16x256xi32> to vector<16x256xi32>
    %swap3A_150 = vector.shape_cast %add3A_145 : vector<16x256xi32> to vector<1x16x256xi32>
    tpu.vector_store %arg3[%swap3A, %swap3A_146, %swap3A_147], %swap3A_150 {strides = array<i32>} : memref<1x16x256xi32, #tpu.memory_space<vmem>>, vector<1x16x256xi32>,
    return
  }
  func.func @transform_0(%arg0: i32) -> (i32, i32, i32) {
    %c0_i32 = arith.constant 0 : i32
    %c0_i32_0 = arith.constant 0 : i32
    %c0_i32_1 = arith.constant 0 : i32
    return %arg0, %c0_i32, %c0_i32_0 : i32, i32, i32
  }
  func.func @transform_1(%arg0: i32) -> (i32, i32, i32) {
    %c0_i32 = arith.constant 0 : i32
    %c0_i32_0 = arith.constant 0 : i32
    %c0_i32_1 = arith.constant 0 : i32
    return %arg0, %c0_i32, %c0_i32_0 : i32, i32, i32
  }
  func.func @transform_2(%arg0: i32) -> (i32, i32, i32) {
    %c0_i32 = arith.constant 0 : i32
    %c0_i32_0 = arith.constant 0 : i32
    %c0_i32_1 = arith.constant 0 : i32
    return %arg0, %c0_i32, %c0_i32_0 : i32, i32, i32
  }
}

module attributes {stable_mosaic.version = 14 : i64} {
  func.func @_body_b(%arg0: i32, %arg1: memref<1x256x64xf32, #tpu.memory_space<vmem>>, %arg2: memref<1x4096x128xf32, #tpu.memory_space<vmem>>, %arg3: memref<1x256x1xf32, #tpu.memory_space<vmem>>, %arg4: memref<128x128xf32, #tpu.memory_space<vmem>>, %arg5: memref<1x128xf32, #tpu.memory_space<vmem>>, %arg6: memref<128x64xf32, #tpu.memory_space<vmem>>, %arg7: memref<1x64xf32, #tpu.memory_space<vmem>>, %arg8: memref<1x256x64xf32, #tpu.memory_space<vmem>>, %arg9: memref<1x16x256xi32, #tpu.memory_space<vmem>>) attributes {dimension_semantics = [#tpu.dimension_semantics<arbitrary>], iteration_bounds = array<i64: 64>, scalar_prefetch = 0 : i64, scratch_operands = 0 : i64, tpu.core_type = #tpu.core_type<tc>, window_params = [{transform_indices = @transform_0, window_bounds = array<i64: 1, 256, 64>}, {transform_indices = @transform_1, window_bounds = array<i64: 1, 4096, 128>}, {transform_indices = @transform_2, window_bounds = array<i64: 1, 256, 1>}, {pipeline_mode = #tpu.pipeline_mode<synchronous>, transform_indices = @transform_3, window_bounds = array<i64: 128, 128>}, {pipeline_mode = #tpu.pipeline_mode<synchronous>, transform_indices = @transform_4, window_bounds = array<i64: 1, 128>}, {pipeline_mode = #tpu.pipeline_mode<synchronous>, transform_indices = @transform_5, window_bounds = array<i64: 128, 64>}, {pipeline_mode = #tpu.pipeline_mode<synchronous>, transform_indices = @transform_6, window_bounds = array<i64: 1, 64>}, {transform_indices = @transform_7, window_bounds = array<i64: 1, 256, 64>}, {transform_indices = @transform_8, window_bounds = array<i64: 1, 16, 256>}]} {
    %get3A = arith.constant 0 : index
    %get3A_0 = arith.constant 0 : index
    %get3A_1 = arith.constant 0 : index
    %get3A_2 = vector.load %arg1[%get3A, %get3A_0, %get3A_1] : memref<1x256x64xf32, #tpu.memory_space<vmem>>, vector<1x256x64xf32>
    %get3A_3 = vector.shape_cast %get3A_2 : vector<1x256x64xf32> to vector<256x64xf32>
    %get3A_4 = arith.constant 0 : index
    %get3A_5 = arith.constant 0 : index
    %get3A_6 = arith.constant 0 : index
    %get3A_7 = vector.load %arg3[%get3A_4, %get3A_5, %get3A_6] : memref<1x256x1xf32, #tpu.memory_space<vmem>>, vector<1x256x1xf32>
    %get3A_8 = vector.shape_cast %get3A_7 : vector<1x256x1xf32> to vector<256x1xf32>
    %eq3A = arith.constant 0.000000e+00 : f32
    %eq3A_9 = vector.broadcast %eq3A : f32 to vector<256x1xf32>
    %eq3A_10 = arith.cmpf oeq, %get3A_8, %eq3A_9 : vector<256x1xf32>
    %convert_element_type3A = arith.extui %eq3A_10 : vector<256x1xi1> to vector<256x1xi32>
    %convert_element_type3A_11 = arith.sitofp %convert_element_type3A : vector<256x1xi32> to vector<256x1xf32>
    %mul3A = arith.constant 9.990000e+02 : f32
    %mul3A_12 = vector.broadcast %mul3A : f32 to vector<256x1xf32>
    %mul3A_13 = arith.mulf %mul3A_12, %convert_element_type3A_11 : vector<256x1xf32>
    %iota3A = tpu.iota {dimensions = array<i32: 1>} : vector<256x256xi32>
    %get3A_14 = arith.constant 0 : index
    %get3A_15 = arith.constant 0 : index
    %get3A_16 = vector.load %arg4[%get3A_14, %get3A_15] : memref<128x128xf32, #tpu.memory_space<vmem>>, vector<128x128xf32>
    %get3A_17 = arith.constant 0 : index
    %get3A_18 = arith.constant 0 : index
    %get3A_19 = vector.load %arg5[%get3A_17, %get3A_18] : memref<1x128xf32, #tpu.memory_space<vmem>>, vector<1x128xf32>
    %get3A_20 = arith.constant 0 : index
    %get3A_21 = arith.constant 0 : index
    %get3A_22 = vector.load %arg6[%get3A_20, %get3A_21] : memref<128x64xf32, #tpu.memory_space<vmem>>, vector<128x64xf32>
    %get3A_23 = arith.constant 0 : index
    %get3A_24 = arith.constant 0 : index
    %get3A_25 = vector.load %arg7[%get3A_23, %get3A_24] : memref<1x64xf32, #tpu.memory_space<vmem>>, vector<1x64xf32>
    %slice3A = vector.extract_strided_slice %get3A_16 {offsets = [0, 0], sizes = [64, 128], strides = [1, 1]} : vector<128x128xf32> to vector<64x128xf32>
    %slice3A_26 = vector.extract_strided_slice %get3A_16 {offsets = [64, 0], sizes = [64, 128], strides = [1, 1]} : vector<128x128xf32> to vector<64x128xf32>
    %sub3A = arith.subf %slice3A_26, %slice3A : vector<64x128xf32>
    %dot_general3A = arith.constant dense<0.000000e+00> : vector<256x128xf32>
    %dot_general3A_27 = tpu.matmul %get3A_3, %sub3A, %dot_general3A {dimension_numbers = #tpu.dot_dimension_numbers<[1], [0], [0], [1], [0, 0, 1, 1], [], []>, precision = #tpu.contract_precision<fp32>, transpose_lhs_hint = false} : vector<256x64xf32>, vector<64x128xf32>, vector<256x128xf32> -> vector<256x128xf32>
    %add3A = vector.broadcast %get3A_19 : vector<1x128xf32> to vector<256x128xf32>
    %add3A_28 = arith.addf %dot_general3A_27, %add3A : vector<256x128xf32>
    %get3A_29 = arith.constant 0 : index
    %get3A_30 = arith.constant 0 : index
    %get3A_31 = arith.constant 0 : index
    %get3A_32 = vector.load %arg2[%get3A_29, %get3A_30, %get3A_31] : memref<1x4096x128xf32, #tpu.memory_space<vmem>>, vector<1x256x64xf32>
    %get3A_33 = vector.shape_cast %get3A_32 : vector<1x256x64xf32> to vector<256x64xf32>
    %dot_general3A_34 = arith.constant dense<0.000000e+00> : vector<256x128xf32>
    %dot_general3A_35 = tpu.matmul %get3A_33, %slice3A, %dot_general3A_34 {dimension_numbers = #tpu.dot_dimension_numbers<[1], [0], [0], [1], [0, 0, 1, 1], [], []>, precision = #tpu.contract_precision<fp32>, transpose_lhs_hint = false} : vector<256x64xf32>, vector<64x128xf32>, vector<256x128xf32> -> vector<256x128xf32>
    %add3A_36 = arith.addf %dot_general3A_35, %add3A_28 : vector<256x128xf32>
    %mul3A_37 = arith.constant 5.000000e-01 : f32
    %mul3A_38 = vector.broadcast %mul3A_37 : f32 to vector<256x128xf32>
    %mul3A_39 = arith.mulf %mul3A_38, %add3A_36 : vector<256x128xf32>
    %mul3A_40 = arith.constant 0.707106769 : f32
    %mul3A_41 = vector.broadcast %mul3A_40 : f32 to vector<256x128xf32>
    %mul3A_42 = arith.mulf %add3A_36, %mul3A_41 : vector<256x128xf32>
    %erf3A = math.erf %mul3A_42 : vector<256x128xf32>
    %add3A_43 = arith.constant 1.000000e+00 : f32
    %add3A_44 = vector.broadcast %add3A_43 : f32 to vector<256x128xf32>
    %add3A_45 = arith.addf %add3A_44, %erf3A : vector<256x128xf32>
    %mul3A_46 = arith.mulf %mul3A_39, %add3A_45 : vector<256x128xf32>
    %dot_general3A_47 = arith.constant dense<0.000000e+00> : vector<256x64xf32>
    %dot_general3A_48 = tpu.matmul %mul3A_46, %get3A_22, %dot_general3A_47 {dimension_numbers = #tpu.dot_dimension_numbers<[1], [0], [0], [1], [0, 0, 1, 1], [], []>, precision = #tpu.contract_precision<fp32>, transpose_lhs_hint = false} : vector<256x128xf32>, vector<128x64xf32>, vector<256x64xf32> -> vector<256x64xf32>
    %add3A_49 = vector.broadcast %get3A_25 : vector<1x64xf32> to vector<256x64xf32>
    %add3A_50 = arith.addf %dot_general3A_48, %add3A_49 : vector<256x64xf32>
    %mul3A_51 = arith.constant 5.000000e-01 : f32
    %mul3A_52 = vector.broadcast %mul3A_51 : f32 to vector<256x64xf32>
    %mul3A_53 = arith.mulf %mul3A_52, %add3A_50 : vector<256x64xf32>
    %mul3A_54 = arith.constant 0.707106769 : f32
    %mul3A_55 = vector.broadcast %mul3A_54 : f32 to vector<256x64xf32>
    %mul3A_56 = arith.mulf %add3A_50, %mul3A_55 : vector<256x64xf32>
    %erf3A_57 = math.erf %mul3A_56 : vector<256x64xf32>
    %add3A_58 = arith.constant 1.000000e+00 : f32
    %add3A_59 = vector.broadcast %add3A_58 : f32 to vector<256x64xf32>
    %add3A_60 = arith.addf %add3A_59, %erf3A_57 : vector<256x64xf32>
    %mul3A_61 = arith.mulf %mul3A_53, %add3A_60 : vector<256x64xf32>
    %get3A_62 = arith.constant 0 : index
    %get3A_63 = arith.constant 256 : index
    %get3A_64 = arith.constant 0 : index
    %get3A_65 = vector.load %arg2[%get3A_62, %get3A_63, %get3A_64] : memref<1x4096x128xf32, #tpu.memory_space<vmem>>, vector<1x256x64xf32>
    %get3A_66 = vector.shape_cast %get3A_65 : vector<1x256x64xf32> to vector<256x64xf32>
    %dot_general3A_67 = arith.constant dense<0.000000e+00> : vector<256x128xf32>
    %dot_general3A_68 = tpu.matmul %get3A_66, %slice3A, %dot_general3A_67 {dimension_numbers = #tpu.dot_dimension_numbers<[1], [0], [0], [1], [0, 0, 1, 1], [], []>, precision = #tpu.contract_precision<fp32>, transpose_lhs_hint = false} : vector<256x64xf32>, vector<64x128xf32>, vector<256x128xf32> -> vector<256x128xf32>
    %add3A_69 = arith.addf %dot_general3A_68, %add3A_28 : vector<256x128xf32>
    %mul3A_70 = arith.constant 5.000000e-01 : f32
    %mul3A_71 = vector.broadcast %mul3A_70 : f32 to vector<256x128xf32>
    %mul3A_72 = arith.mulf %mul3A_71, %add3A_69 : vector<256x128xf32>
    %mul3A_73 = arith.constant 0.707106769 : f32
    %mul3A_74 = vector.broadcast %mul3A_73 : f32 to vector<256x128xf32>
    %mul3A_75 = arith.mulf %add3A_69, %mul3A_74 : vector<256x128xf32>
    %erf3A_76 = math.erf %mul3A_75 : vector<256x128xf32>
    %add3A_77 = arith.constant 1.000000e+00 : f32
    %add3A_78 = vector.broadcast %add3A_77 : f32 to vector<256x128xf32>
    %add3A_79 = arith.addf %add3A_78, %erf3A_76 : vector<256x128xf32>
    %mul3A_80 = arith.mulf %mul3A_72, %add3A_79 : vector<256x128xf32>
    %dot_general3A_81 = arith.constant dense<0.000000e+00> : vector<256x64xf32>
    %dot_general3A_82 = tpu.matmul %mul3A_80, %get3A_22, %dot_general3A_81 {dimension_numbers = #tpu.dot_dimension_numbers<[1], [0], [0], [1], [0, 0, 1, 1], [], []>, precision = #tpu.contract_precision<fp32>, transpose_lhs_hint = false} : vector<256x128xf32>, vector<128x64xf32>, vector<256x64xf32> -> vector<256x64xf32>
    %add3A_83 = vector.broadcast %get3A_25 : vector<1x64xf32> to vector<256x64xf32>
    %add3A_84 = arith.addf %dot_general3A_82, %add3A_83 : vector<256x64xf32>
    %mul3A_85 = arith.constant 5.000000e-01 : f32
    %mul3A_86 = vector.broadcast %mul3A_85 : f32 to vector<256x64xf32>
    %mul3A_87 = arith.mulf %mul3A_86, %add3A_84 : vector<256x64xf32>
    %mul3A_88 = arith.constant 0.707106769 : f32
    %mul3A_89 = vector.broadcast %mul3A_88 : f32 to vector<256x64xf32>
    %mul3A_90 = arith.mulf %add3A_84, %mul3A_89 : vector<256x64xf32>
    %erf3A_91 = math.erf %mul3A_90 : vector<256x64xf32>
    %add3A_92 = arith.constant 1.000000e+00 : f32
    %add3A_93 = vector.broadcast %add3A_92 : f32 to vector<256x64xf32>
    %add3A_94 = arith.addf %add3A_93, %erf3A_91 : vector<256x64xf32>
    %mul3A_95 = arith.mulf %mul3A_87, %add3A_94 : vector<256x64xf32>
    %add3A_96 = arith.addf %mul3A_61, %mul3A_95 : vector<256x64xf32>
    %get3A_97 = arith.constant 0 : index
    %get3A_98 = arith.constant 512 : index
    %get3A_99 = arith.constant 0 : index
    %get3A_100 = vector.load %arg2[%get3A_97, %get3A_98, %get3A_99] : memref<1x4096x128xf32, #tpu.memory_space<vmem>>, vector<1x256x64xf32>
    %get3A_101 = vector.shape_cast %get3A_100 : vector<1x256x64xf32> to vector<256x64xf32>
    %dot_general3A_102 = arith.constant dense<0.000000e+00> : vector<256x128xf32>
    %dot_general3A_103 = tpu.matmul %get3A_101, %slice3A, %dot_general3A_102 {dimension_numbers = #tpu.dot_dimension_numbers<[1], [0], [0], [1], [0, 0, 1, 1], [], []>, precision = #tpu.contract_precision<fp32>, transpose_lhs_hint = false} : vector<256x64xf32>, vector<64x128xf32>, vector<256x128xf32> -> vector<256x128xf32>
    %add3A_104 = arith.addf %dot_general3A_103, %add3A_28 : vector<256x128xf32>
    %mul3A_105 = arith.constant 5.000000e-01 : f32
    %mul3A_106 = vector.broadcast %mul3A_105 : f32 to vector<256x128xf32>
    %mul3A_107 = arith.mulf %mul3A_106, %add3A_104 : vector<256x128xf32>
    %mul3A_108 = arith.constant 0.707106769 : f32
    %mul3A_109 = vector.broadcast %mul3A_108 : f32 to vector<256x128xf32>
    %mul3A_110 = arith.mulf %add3A_104, %mul3A_109 : vector<256x128xf32>
    %erf3A_111 = math.erf %mul3A_110 : vector<256x128xf32>
    %add3A_112 = arith.constant 1.000000e+00 : f32
    %add3A_113 = vector.broadcast %add3A_112 : f32 to vector<256x128xf32>
    %add3A_114 = arith.addf %add3A_113, %erf3A_111 : vector<256x128xf32>
    %mul3A_115 = arith.mulf %mul3A_107, %add3A_114 : vector<256x128xf32>
    %dot_general3A_116 = arith.constant dense<0.000000e+00> : vector<256x64xf32>
    %dot_general3A_117 = tpu.matmul %mul3A_115, %get3A_22, %dot_general3A_116 {dimension_numbers = #tpu.dot_dimension_numbers<[1], [0], [0], [1], [0, 0, 1, 1], [], []>, precision = #tpu.contract_precision<fp32>, transpose_lhs_hint = false} : vector<256x128xf32>, vector<128x64xf32>, vector<256x64xf32> -> vector<256x64xf32>
    %add3A_118 = vector.broadcast %get3A_25 : vector<1x64xf32> to vector<256x64xf32>
    %add3A_119 = arith.addf %dot_general3A_117, %add3A_118 : vector<256x64xf32>
    %mul3A_120 = arith.constant 5.000000e-01 : f32
    %mul3A_121 = vector.broadcast %mul3A_120 : f32 to vector<256x64xf32>
    %mul3A_122 = arith.mulf %mul3A_121, %add3A_119 : vector<256x64xf32>
    %mul3A_123 = arith.constant 0.707106769 : f32
    %mul3A_124 = vector.broadcast %mul3A_123 : f32 to vector<256x64xf32>
    %mul3A_125 = arith.mulf %add3A_119, %mul3A_124 : vector<256x64xf32>
    %erf3A_126 = math.erf %mul3A_125 : vector<256x64xf32>
    %add3A_127 = arith.constant 1.000000e+00 : f32
    %add3A_128 = vector.broadcast %add3A_127 : f32 to vector<256x64xf32>
    %add3A_129 = arith.addf %add3A_128, %erf3A_126 : vector<256x64xf32>
    %mul3A_130 = arith.mulf %mul3A_122, %add3A_129 : vector<256x64xf32>
    %add3A_131 = arith.addf %add3A_96, %mul3A_130 : vector<256x64xf32>
    %get3A_132 = arith.constant 0 : index
    %get3A_133 = arith.constant 768 : index
    %get3A_134 = arith.constant 0 : index
    %get3A_135 = vector.load %arg2[%get3A_132, %get3A_133, %get3A_134] : memref<1x4096x128xf32, #tpu.memory_space<vmem>>, vector<1x256x64xf32>
    %get3A_136 = vector.shape_cast %get3A_135 : vector<1x256x64xf32> to vector<256x64xf32>
    %dot_general3A_137 = arith.constant dense<0.000000e+00> : vector<256x128xf32>
    %dot_general3A_138 = tpu.matmul %get3A_136, %slice3A, %dot_general3A_137 {dimension_numbers = #tpu.dot_dimension_numbers<[1], [0], [0], [1], [0, 0, 1, 1], [], []>, precision = #tpu.contract_precision<fp32>, transpose_lhs_hint = false} : vector<256x64xf32>, vector<64x128xf32>, vector<256x128xf32> -> vector<256x128xf32>
    %add3A_139 = arith.addf %dot_general3A_138, %add3A_28 : vector<256x128xf32>
    %mul3A_140 = arith.constant 5.000000e-01 : f32
    %mul3A_141 = vector.broadcast %mul3A_140 : f32 to vector<256x128xf32>
    %mul3A_142 = arith.mulf %mul3A_141, %add3A_139 : vector<256x128xf32>
    %mul3A_143 = arith.constant 0.707106769 : f32
    %mul3A_144 = vector.broadcast %mul3A_143 : f32 to vector<256x128xf32>
    %mul3A_145 = arith.mulf %add3A_139, %mul3A_144 : vector<256x128xf32>
    %erf3A_146 = math.erf %mul3A_145 : vector<256x128xf32>
    %add3A_147 = arith.constant 1.000000e+00 : f32
    %add3A_148 = vector.broadcast %add3A_147 : f32 to vector<256x128xf32>
    %add3A_149 = arith.addf %add3A_148, %erf3A_146 : vector<256x128xf32>
    %mul3A_150 = arith.mulf %mul3A_142, %add3A_149 : vector<256x128xf32>
    %dot_general3A_151 = arith.constant dense<0.000000e+00> : vector<256x64xf32>
    %dot_general3A_152 = tpu.matmul %mul3A_150, %get3A_22, %dot_general3A_151 {dimension_numbers = #tpu.dot_dimension_numbers<[1], [0], [0], [1], [0, 0, 1, 1], [], []>, precision = #tpu.contract_precision<fp32>, transpose_lhs_hint = false} : vector<256x128xf32>, vector<128x64xf32>, vector<256x64xf32> -> vector<256x64xf32>
    %add3A_153 = vector.broadcast %get3A_25 : vector<1x64xf32> to vector<256x64xf32>
    %add3A_154 = arith.addf %dot_general3A_152, %add3A_153 : vector<256x64xf32>
    %mul3A_155 = arith.constant 5.000000e-01 : f32
    %mul3A_156 = vector.broadcast %mul3A_155 : f32 to vector<256x64xf32>
    %mul3A_157 = arith.mulf %mul3A_156, %add3A_154 : vector<256x64xf32>
    %mul3A_158 = arith.constant 0.707106769 : f32
    %mul3A_159 = vector.broadcast %mul3A_158 : f32 to vector<256x64xf32>
    %mul3A_160 = arith.mulf %add3A_154, %mul3A_159 : vector<256x64xf32>
    %erf3A_161 = math.erf %mul3A_160 : vector<256x64xf32>
    %add3A_162 = arith.constant 1.000000e+00 : f32
    %add3A_163 = vector.broadcast %add3A_162 : f32 to vector<256x64xf32>
    %add3A_164 = arith.addf %add3A_163, %erf3A_161 : vector<256x64xf32>
    %mul3A_165 = arith.mulf %mul3A_157, %add3A_164 : vector<256x64xf32>
    %add3A_166 = arith.addf %add3A_131, %mul3A_165 : vector<256x64xf32>
    %get3A_167 = arith.constant 0 : index
    %get3A_168 = arith.constant 1024 : index
    %get3A_169 = arith.constant 0 : index
    %get3A_170 = vector.load %arg2[%get3A_167, %get3A_168, %get3A_169] : memref<1x4096x128xf32, #tpu.memory_space<vmem>>, vector<1x256x64xf32>
    %get3A_171 = vector.shape_cast %get3A_170 : vector<1x256x64xf32> to vector<256x64xf32>
    %dot_general3A_172 = arith.constant dense<0.000000e+00> : vector<256x128xf32>
    %dot_general3A_173 = tpu.matmul %get3A_171, %slice3A, %dot_general3A_172 {dimension_numbers = #tpu.dot_dimension_numbers<[1], [0], [0], [1], [0, 0, 1, 1], [], []>, precision = #tpu.contract_precision<fp32>, transpose_lhs_hint = false} : vector<256x64xf32>, vector<64x128xf32>, vector<256x128xf32> -> vector<256x128xf32>
    %add3A_174 = arith.addf %dot_general3A_173, %add3A_28 : vector<256x128xf32>
    %mul3A_175 = arith.constant 5.000000e-01 : f32
    %mul3A_176 = vector.broadcast %mul3A_175 : f32 to vector<256x128xf32>
    %mul3A_177 = arith.mulf %mul3A_176, %add3A_174 : vector<256x128xf32>
    %mul3A_178 = arith.constant 0.707106769 : f32
    %mul3A_179 = vector.broadcast %mul3A_178 : f32 to vector<256x128xf32>
    %mul3A_180 = arith.mulf %add3A_174, %mul3A_179 : vector<256x128xf32>
    %erf3A_181 = math.erf %mul3A_180 : vector<256x128xf32>
    %add3A_182 = arith.constant 1.000000e+00 : f32
    %add3A_183 = vector.broadcast %add3A_182 : f32 to vector<256x128xf32>
    %add3A_184 = arith.addf %add3A_183, %erf3A_181 : vector<256x128xf32>
    %mul3A_185 = arith.mulf %mul3A_177, %add3A_184 : vector<256x128xf32>
    %dot_general3A_186 = arith.constant dense<0.000000e+00> : vector<256x64xf32>
    %dot_general3A_187 = tpu.matmul %mul3A_185, %get3A_22, %dot_general3A_186 {dimension_numbers = #tpu.dot_dimension_numbers<[1], [0], [0], [1], [0, 0, 1, 1], [], []>, precision = #tpu.contract_precision<fp32>, transpose_lhs_hint = false} : vector<256x128xf32>, vector<128x64xf32>, vector<256x64xf32> -> vector<256x64xf32>
    %add3A_188 = vector.broadcast %get3A_25 : vector<1x64xf32> to vector<256x64xf32>
    %add3A_189 = arith.addf %dot_general3A_187, %add3A_188 : vector<256x64xf32>
    %mul3A_190 = arith.constant 5.000000e-01 : f32
    %mul3A_191 = vector.broadcast %mul3A_190 : f32 to vector<256x64xf32>
    %mul3A_192 = arith.mulf %mul3A_191, %add3A_189 : vector<256x64xf32>
    %mul3A_193 = arith.constant 0.707106769 : f32
    %mul3A_194 = vector.broadcast %mul3A_193 : f32 to vector<256x64xf32>
    %mul3A_195 = arith.mulf %add3A_189, %mul3A_194 : vector<256x64xf32>
    %erf3A_196 = math.erf %mul3A_195 : vector<256x64xf32>
    %add3A_197 = arith.constant 1.000000e+00 : f32
    %add3A_198 = vector.broadcast %add3A_197 : f32 to vector<256x64xf32>
    %add3A_199 = arith.addf %add3A_198, %erf3A_196 : vector<256x64xf32>
    %mul3A_200 = arith.mulf %mul3A_192, %add3A_199 : vector<256x64xf32>
    %add3A_201 = arith.addf %add3A_166, %mul3A_200 : vector<256x64xf32>
    %get3A_202 = arith.constant 0 : index
    %get3A_203 = arith.constant 1280 : index
    %get3A_204 = arith.constant 0 : index
    %get3A_205 = vector.load %arg2[%get3A_202, %get3A_203, %get3A_204] : memref<1x4096x128xf32, #tpu.memory_space<vmem>>, vector<1x256x64xf32>
    %get3A_206 = vector.shape_cast %get3A_205 : vector<1x256x64xf32> to vector<256x64xf32>
    %dot_general3A_207 = arith.constant dense<0.000000e+00> : vector<256x128xf32>
    %dot_general3A_208 = tpu.matmul %get3A_206, %slice3A, %dot_general3A_207 {dimension_numbers = #tpu.dot_dimension_numbers<[1], [0], [0], [1], [0, 0, 1, 1], [], []>, precision = #tpu.contract_precision<fp32>, transpose_lhs_hint = false} : vector<256x64xf32>, vector<64x128xf32>, vector<256x128xf32> -> vector<256x128xf32>
    %add3A_209 = arith.addf %dot_general3A_208, %add3A_28 : vector<256x128xf32>
    %mul3A_210 = arith.constant 5.000000e-01 : f32
    %mul3A_211 = vector.broadcast %mul3A_210 : f32 to vector<256x128xf32>
    %mul3A_212 = arith.mulf %mul3A_211, %add3A_209 : vector<256x128xf32>
    %mul3A_213 = arith.constant 0.707106769 : f32
    %mul3A_214 = vector.broadcast %mul3A_213 : f32 to vector<256x128xf32>
    %mul3A_215 = arith.mulf %add3A_209, %mul3A_214 : vector<256x128xf32>
    %erf3A_216 = math.erf %mul3A_215 : vector<256x128xf32>
    %add3A_217 = arith.constant 1.000000e+00 : f32
    %add3A_218 = vector.broadcast %add3A_217 : f32 to vector<256x128xf32>
    %add3A_219 = arith.addf %add3A_218, %erf3A_216 : vector<256x128xf32>
    %mul3A_220 = arith.mulf %mul3A_212, %add3A_219 : vector<256x128xf32>
    %dot_general3A_221 = arith.constant dense<0.000000e+00> : vector<256x64xf32>
    %dot_general3A_222 = tpu.matmul %mul3A_220, %get3A_22, %dot_general3A_221 {dimension_numbers = #tpu.dot_dimension_numbers<[1], [0], [0], [1], [0, 0, 1, 1], [], []>, precision = #tpu.contract_precision<fp32>, transpose_lhs_hint = false} : vector<256x128xf32>, vector<128x64xf32>, vector<256x64xf32> -> vector<256x64xf32>
    %add3A_223 = vector.broadcast %get3A_25 : vector<1x64xf32> to vector<256x64xf32>
    %add3A_224 = arith.addf %dot_general3A_222, %add3A_223 : vector<256x64xf32>
    %mul3A_225 = arith.constant 5.000000e-01 : f32
    %mul3A_226 = vector.broadcast %mul3A_225 : f32 to vector<256x64xf32>
    %mul3A_227 = arith.mulf %mul3A_226, %add3A_224 : vector<256x64xf32>
    %mul3A_228 = arith.constant 0.707106769 : f32
    %mul3A_229 = vector.broadcast %mul3A_228 : f32 to vector<256x64xf32>
    %mul3A_230 = arith.mulf %add3A_224, %mul3A_229 : vector<256x64xf32>
    %erf3A_231 = math.erf %mul3A_230 : vector<256x64xf32>
    %add3A_232 = arith.constant 1.000000e+00 : f32
    %add3A_233 = vector.broadcast %add3A_232 : f32 to vector<256x64xf32>
    %add3A_234 = arith.addf %add3A_233, %erf3A_231 : vector<256x64xf32>
    %mul3A_235 = arith.mulf %mul3A_227, %add3A_234 : vector<256x64xf32>
    %add3A_236 = arith.addf %add3A_201, %mul3A_235 : vector<256x64xf32>
    %get3A_237 = arith.constant 0 : index
    %get3A_238 = arith.constant 1536 : index
    %get3A_239 = arith.constant 0 : index
    %get3A_240 = vector.load %arg2[%get3A_237, %get3A_238, %get3A_239] : memref<1x4096x128xf32, #tpu.memory_space<vmem>>, vector<1x256x64xf32>
    %get3A_241 = vector.shape_cast %get3A_240 : vector<1x256x64xf32> to vector<256x64xf32>
    %dot_general3A_242 = arith.constant dense<0.000000e+00> : vector<256x128xf32>
    %dot_general3A_243 = tpu.matmul %get3A_241, %slice3A, %dot_general3A_242 {dimension_numbers = #tpu.dot_dimension_numbers<[1], [0], [0], [1], [0, 0, 1, 1], [], []>, precision = #tpu.contract_precision<fp32>, transpose_lhs_hint = false} : vector<256x64xf32>, vector<64x128xf32>, vector<256x128xf32> -> vector<256x128xf32>
    %add3A_244 = arith.addf %dot_general3A_243, %add3A_28 : vector<256x128xf32>
    %mul3A_245 = arith.constant 5.000000e-01 : f32
    %mul3A_246 = vector.broadcast %mul3A_245 : f32 to vector<256x128xf32>
    %mul3A_247 = arith.mulf %mul3A_246, %add3A_244 : vector<256x128xf32>
    %mul3A_248 = arith.constant 0.707106769 : f32
    %mul3A_249 = vector.broadcast %mul3A_248 : f32 to vector<256x128xf32>
    %mul3A_250 = arith.mulf %add3A_244, %mul3A_249 : vector<256x128xf32>
    %erf3A_251 = math.erf %mul3A_250 : vector<256x128xf32>
    %add3A_252 = arith.constant 1.000000e+00 : f32
    %add3A_253 = vector.broadcast %add3A_252 : f32 to vector<256x128xf32>
    %add3A_254 = arith.addf %add3A_253, %erf3A_251 : vector<256x128xf32>
    %mul3A_255 = arith.mulf %mul3A_247, %add3A_254 : vector<256x128xf32>
    %dot_general3A_256 = arith.constant dense<0.000000e+00> : vector<256x64xf32>
    %dot_general3A_257 = tpu.matmul %mul3A_255, %get3A_22, %dot_general3A_256 {dimension_numbers = #tpu.dot_dimension_numbers<[1], [0], [0], [1], [0, 0, 1, 1], [], []>, precision = #tpu.contract_precision<fp32>, transpose_lhs_hint = false} : vector<256x128xf32>, vector<128x64xf32>, vector<256x64xf32> -> vector<256x64xf32>
    %add3A_258 = vector.broadcast %get3A_25 : vector<1x64xf32> to vector<256x64xf32>
    %add3A_259 = arith.addf %dot_general3A_257, %add3A_258 : vector<256x64xf32>
    %mul3A_260 = arith.constant 5.000000e-01 : f32
    %mul3A_261 = vector.broadcast %mul3A_260 : f32 to vector<256x64xf32>
    %mul3A_262 = arith.mulf %mul3A_261, %add3A_259 : vector<256x64xf32>
    %mul3A_263 = arith.constant 0.707106769 : f32
    %mul3A_264 = vector.broadcast %mul3A_263 : f32 to vector<256x64xf32>
    %mul3A_265 = arith.mulf %add3A_259, %mul3A_264 : vector<256x64xf32>
    %erf3A_266 = math.erf %mul3A_265 : vector<256x64xf32>
    %add3A_267 = arith.constant 1.000000e+00 : f32
    %add3A_268 = vector.broadcast %add3A_267 : f32 to vector<256x64xf32>
    %add3A_269 = arith.addf %add3A_268, %erf3A_266 : vector<256x64xf32>
    %mul3A_270 = arith.mulf %mul3A_262, %add3A_269 : vector<256x64xf32>
    %add3A_271 = arith.addf %add3A_236, %mul3A_270 : vector<256x64xf32>
    %get3A_272 = arith.constant 0 : index
    %get3A_273 = arith.constant 1792 : index
    %get3A_274 = arith.constant 0 : index
    %get3A_275 = vector.load %arg2[%get3A_272, %get3A_273, %get3A_274] : memref<1x4096x128xf32, #tpu.memory_space<vmem>>, vector<1x256x64xf32>
    %get3A_276 = vector.shape_cast %get3A_275 : vector<1x256x64xf32> to vector<256x64xf32>
    %dot_general3A_277 = arith.constant dense<0.000000e+00> : vector<256x128xf32>
    %dot_general3A_278 = tpu.matmul %get3A_276, %slice3A, %dot_general3A_277 {dimension_numbers = #tpu.dot_dimension_numbers<[1], [0], [0], [1], [0, 0, 1, 1], [], []>, precision = #tpu.contract_precision<fp32>, transpose_lhs_hint = false} : vector<256x64xf32>, vector<64x128xf32>, vector<256x128xf32> -> vector<256x128xf32>
    %add3A_279 = arith.addf %dot_general3A_278, %add3A_28 : vector<256x128xf32>
    %mul3A_280 = arith.constant 5.000000e-01 : f32
    %mul3A_281 = vector.broadcast %mul3A_280 : f32 to vector<256x128xf32>
    %mul3A_282 = arith.mulf %mul3A_281, %add3A_279 : vector<256x128xf32>
    %mul3A_283 = arith.constant 0.707106769 : f32
    %mul3A_284 = vector.broadcast %mul3A_283 : f32 to vector<256x128xf32>
    %mul3A_285 = arith.mulf %add3A_279, %mul3A_284 : vector<256x128xf32>
    %erf3A_286 = math.erf %mul3A_285 : vector<256x128xf32>
    %add3A_287 = arith.constant 1.000000e+00 : f32
    %add3A_288 = vector.broadcast %add3A_287 : f32 to vector<256x128xf32>
    %add3A_289 = arith.addf %add3A_288, %erf3A_286 : vector<256x128xf32>
    %mul3A_290 = arith.mulf %mul3A_282, %add3A_289 : vector<256x128xf32>
    %dot_general3A_291 = arith.constant dense<0.000000e+00> : vector<256x64xf32>
    %dot_general3A_292 = tpu.matmul %mul3A_290, %get3A_22, %dot_general3A_291 {dimension_numbers = #tpu.dot_dimension_numbers<[1], [0], [0], [1], [0, 0, 1, 1], [], []>, precision = #tpu.contract_precision<fp32>, transpose_lhs_hint = false} : vector<256x128xf32>, vector<128x64xf32>, vector<256x64xf32> -> vector<256x64xf32>
    %add3A_293 = vector.broadcast %get3A_25 : vector<1x64xf32> to vector<256x64xf32>
    %add3A_294 = arith.addf %dot_general3A_292, %add3A_293 : vector<256x64xf32>
    %mul3A_295 = arith.constant 5.000000e-01 : f32
    %mul3A_296 = vector.broadcast %mul3A_295 : f32 to vector<256x64xf32>
    %mul3A_297 = arith.mulf %mul3A_296, %add3A_294 : vector<256x64xf32>
    %mul3A_298 = arith.constant 0.707106769 : f32
    %mul3A_299 = vector.broadcast %mul3A_298 : f32 to vector<256x64xf32>
    %mul3A_300 = arith.mulf %add3A_294, %mul3A_299 : vector<256x64xf32>
    %erf3A_301 = math.erf %mul3A_300 : vector<256x64xf32>
    %add3A_302 = arith.constant 1.000000e+00 : f32
    %add3A_303 = vector.broadcast %add3A_302 : f32 to vector<256x64xf32>
    %add3A_304 = arith.addf %add3A_303, %erf3A_301 : vector<256x64xf32>
    %mul3A_305 = arith.mulf %mul3A_297, %add3A_304 : vector<256x64xf32>
    %add3A_306 = arith.addf %add3A_271, %mul3A_305 : vector<256x64xf32>
    %get3A_307 = arith.constant 0 : index
    %get3A_308 = arith.constant 2048 : index
    %get3A_309 = arith.constant 0 : index
    %get3A_310 = vector.load %arg2[%get3A_307, %get3A_308, %get3A_309] : memref<1x4096x128xf32, #tpu.memory_space<vmem>>, vector<1x256x64xf32>
    %get3A_311 = vector.shape_cast %get3A_310 : vector<1x256x64xf32> to vector<256x64xf32>
    %dot_general3A_312 = arith.constant dense<0.000000e+00> : vector<256x128xf32>
    %dot_general3A_313 = tpu.matmul %get3A_311, %slice3A, %dot_general3A_312 {dimension_numbers = #tpu.dot_dimension_numbers<[1], [0], [0], [1], [0, 0, 1, 1], [], []>, precision = #tpu.contract_precision<fp32>, transpose_lhs_hint = false} : vector<256x64xf32>, vector<64x128xf32>, vector<256x128xf32> -> vector<256x128xf32>
    %add3A_314 = arith.addf %dot_general3A_313, %add3A_28 : vector<256x128xf32>
    %mul3A_315 = arith.constant 5.000000e-01 : f32
    %mul3A_316 = vector.broadcast %mul3A_315 : f32 to vector<256x128xf32>
    %mul3A_317 = arith.mulf %mul3A_316, %add3A_314 : vector<256x128xf32>
    %mul3A_318 = arith.constant 0.707106769 : f32
    %mul3A_319 = vector.broadcast %mul3A_318 : f32 to vector<256x128xf32>
    %mul3A_320 = arith.mulf %add3A_314, %mul3A_319 : vector<256x128xf32>
    %erf3A_321 = math.erf %mul3A_320 : vector<256x128xf32>
    %add3A_322 = arith.constant 1.000000e+00 : f32
    %add3A_323 = vector.broadcast %add3A_322 : f32 to vector<256x128xf32>
    %add3A_324 = arith.addf %add3A_323, %erf3A_321 : vector<256x128xf32>
    %mul3A_325 = arith.mulf %mul3A_317, %add3A_324 : vector<256x128xf32>
    %dot_general3A_326 = arith.constant dense<0.000000e+00> : vector<256x64xf32>
    %dot_general3A_327 = tpu.matmul %mul3A_325, %get3A_22, %dot_general3A_326 {dimension_numbers = #tpu.dot_dimension_numbers<[1], [0], [0], [1], [0, 0, 1, 1], [], []>, precision = #tpu.contract_precision<fp32>, transpose_lhs_hint = false} : vector<256x128xf32>, vector<128x64xf32>, vector<256x64xf32> -> vector<256x64xf32>
    %add3A_328 = vector.broadcast %get3A_25 : vector<1x64xf32> to vector<256x64xf32>
    %add3A_329 = arith.addf %dot_general3A_327, %add3A_328 : vector<256x64xf32>
    %mul3A_330 = arith.constant 5.000000e-01 : f32
    %mul3A_331 = vector.broadcast %mul3A_330 : f32 to vector<256x64xf32>
    %mul3A_332 = arith.mulf %mul3A_331, %add3A_329 : vector<256x64xf32>
    %mul3A_333 = arith.constant 0.707106769 : f32
    %mul3A_334 = vector.broadcast %mul3A_333 : f32 to vector<256x64xf32>
    %mul3A_335 = arith.mulf %add3A_329, %mul3A_334 : vector<256x64xf32>
    %erf3A_336 = math.erf %mul3A_335 : vector<256x64xf32>
    %add3A_337 = arith.constant 1.000000e+00 : f32
    %add3A_338 = vector.broadcast %add3A_337 : f32 to vector<256x64xf32>
    %add3A_339 = arith.addf %add3A_338, %erf3A_336 : vector<256x64xf32>
    %mul3A_340 = arith.mulf %mul3A_332, %add3A_339 : vector<256x64xf32>
    %add3A_341 = arith.addf %add3A_306, %mul3A_340 : vector<256x64xf32>
    %get3A_342 = arith.constant 0 : index
    %get3A_343 = arith.constant 2304 : index
    %get3A_344 = arith.constant 0 : index
    %get3A_345 = vector.load %arg2[%get3A_342, %get3A_343, %get3A_344] : memref<1x4096x128xf32, #tpu.memory_space<vmem>>, vector<1x256x64xf32>
    %get3A_346 = vector.shape_cast %get3A_345 : vector<1x256x64xf32> to vector<256x64xf32>
    %dot_general3A_347 = arith.constant dense<0.000000e+00> : vector<256x128xf32>
    %dot_general3A_348 = tpu.matmul %get3A_346, %slice3A, %dot_general3A_347 {dimension_numbers = #tpu.dot_dimension_numbers<[1], [0], [0], [1], [0, 0, 1, 1], [], []>, precision = #tpu.contract_precision<fp32>, transpose_lhs_hint = false} : vector<256x64xf32>, vector<64x128xf32>, vector<256x128xf32> -> vector<256x128xf32>
    %add3A_349 = arith.addf %dot_general3A_348, %add3A_28 : vector<256x128xf32>
    %mul3A_350 = arith.constant 5.000000e-01 : f32
    %mul3A_351 = vector.broadcast %mul3A_350 : f32 to vector<256x128xf32>
    %mul3A_352 = arith.mulf %mul3A_351, %add3A_349 : vector<256x128xf32>
    %mul3A_353 = arith.constant 0.707106769 : f32
    %mul3A_354 = vector.broadcast %mul3A_353 : f32 to vector<256x128xf32>
    %mul3A_355 = arith.mulf %add3A_349, %mul3A_354 : vector<256x128xf32>
    %erf3A_356 = math.erf %mul3A_355 : vector<256x128xf32>
    %add3A_357 = arith.constant 1.000000e+00 : f32
    %add3A_358 = vector.broadcast %add3A_357 : f32 to vector<256x128xf32>
    %add3A_359 = arith.addf %add3A_358, %erf3A_356 : vector<256x128xf32>
    %mul3A_360 = arith.mulf %mul3A_352, %add3A_359 : vector<256x128xf32>
    %dot_general3A_361 = arith.constant dense<0.000000e+00> : vector<256x64xf32>
    %dot_general3A_362 = tpu.matmul %mul3A_360, %get3A_22, %dot_general3A_361 {dimension_numbers = #tpu.dot_dimension_numbers<[1], [0], [0], [1], [0, 0, 1, 1], [], []>, precision = #tpu.contract_precision<fp32>, transpose_lhs_hint = false} : vector<256x128xf32>, vector<128x64xf32>, vector<256x64xf32> -> vector<256x64xf32>
    %add3A_363 = vector.broadcast %get3A_25 : vector<1x64xf32> to vector<256x64xf32>
    %add3A_364 = arith.addf %dot_general3A_362, %add3A_363 : vector<256x64xf32>
    %mul3A_365 = arith.constant 5.000000e-01 : f32
    %mul3A_366 = vector.broadcast %mul3A_365 : f32 to vector<256x64xf32>
    %mul3A_367 = arith.mulf %mul3A_366, %add3A_364 : vector<256x64xf32>
    %mul3A_368 = arith.constant 0.707106769 : f32
    %mul3A_369 = vector.broadcast %mul3A_368 : f32 to vector<256x64xf32>
    %mul3A_370 = arith.mulf %add3A_364, %mul3A_369 : vector<256x64xf32>
    %erf3A_371 = math.erf %mul3A_370 : vector<256x64xf32>
    %add3A_372 = arith.constant 1.000000e+00 : f32
    %add3A_373 = vector.broadcast %add3A_372 : f32 to vector<256x64xf32>
    %add3A_374 = arith.addf %add3A_373, %erf3A_371 : vector<256x64xf32>
    %mul3A_375 = arith.mulf %mul3A_367, %add3A_374 : vector<256x64xf32>
    %add3A_376 = arith.addf %add3A_341, %mul3A_375 : vector<256x64xf32>
    %get3A_377 = arith.constant 0 : index
    %get3A_378 = arith.constant 2560 : index
    %get3A_379 = arith.constant 0 : index
    %get3A_380 = vector.load %arg2[%get3A_377, %get3A_378, %get3A_379] : memref<1x4096x128xf32, #tpu.memory_space<vmem>>, vector<1x256x64xf32>
    %get3A_381 = vector.shape_cast %get3A_380 : vector<1x256x64xf32> to vector<256x64xf32>
    %dot_general3A_382 = arith.constant dense<0.000000e+00> : vector<256x128xf32>
    %dot_general3A_383 = tpu.matmul %get3A_381, %slice3A, %dot_general3A_382 {dimension_numbers = #tpu.dot_dimension_numbers<[1], [0], [0], [1], [0, 0, 1, 1], [], []>, precision = #tpu.contract_precision<fp32>, transpose_lhs_hint = false} : vector<256x64xf32>, vector<64x128xf32>, vector<256x128xf32> -> vector<256x128xf32>
    %add3A_384 = arith.addf %dot_general3A_383, %add3A_28 : vector<256x128xf32>
    %mul3A_385 = arith.constant 5.000000e-01 : f32
    %mul3A_386 = vector.broadcast %mul3A_385 : f32 to vector<256x128xf32>
    %mul3A_387 = arith.mulf %mul3A_386, %add3A_384 : vector<256x128xf32>
    %mul3A_388 = arith.constant 0.707106769 : f32
    %mul3A_389 = vector.broadcast %mul3A_388 : f32 to vector<256x128xf32>
    %mul3A_390 = arith.mulf %add3A_384, %mul3A_389 : vector<256x128xf32>
    %erf3A_391 = math.erf %mul3A_390 : vector<256x128xf32>
    %add3A_392 = arith.constant 1.000000e+00 : f32
    %add3A_393 = vector.broadcast %add3A_392 : f32 to vector<256x128xf32>
    %add3A_394 = arith.addf %add3A_393, %erf3A_391 : vector<256x128xf32>
    %mul3A_395 = arith.mulf %mul3A_387, %add3A_394 : vector<256x128xf32>
    %dot_general3A_396 = arith.constant dense<0.000000e+00> : vector<256x64xf32>
    %dot_general3A_397 = tpu.matmul %mul3A_395, %get3A_22, %dot_general3A_396 {dimension_numbers = #tpu.dot_dimension_numbers<[1], [0], [0], [1], [0, 0, 1, 1], [], []>, precision = #tpu.contract_precision<fp32>, transpose_lhs_hint = false} : vector<256x128xf32>, vector<128x64xf32>, vector<256x64xf32> -> vector<256x64xf32>
    %add3A_398 = vector.broadcast %get3A_25 : vector<1x64xf32> to vector<256x64xf32>
    %add3A_399 = arith.addf %dot_general3A_397, %add3A_398 : vector<256x64xf32>
    %mul3A_400 = arith.constant 5.000000e-01 : f32
    %mul3A_401 = vector.broadcast %mul3A_400 : f32 to vector<256x64xf32>
    %mul3A_402 = arith.mulf %mul3A_401, %add3A_399 : vector<256x64xf32>
    %mul3A_403 = arith.constant 0.707106769 : f32
    %mul3A_404 = vector.broadcast %mul3A_403 : f32 to vector<256x64xf32>
    %mul3A_405 = arith.mulf %add3A_399, %mul3A_404 : vector<256x64xf32>
    %erf3A_406 = math.erf %mul3A_405 : vector<256x64xf32>
    %add3A_407 = arith.constant 1.000000e+00 : f32
    %add3A_408 = vector.broadcast %add3A_407 : f32 to vector<256x64xf32>
    %add3A_409 = arith.addf %add3A_408, %erf3A_406 : vector<256x64xf32>
    %mul3A_410 = arith.mulf %mul3A_402, %add3A_409 : vector<256x64xf32>
    %add3A_411 = arith.addf %add3A_376, %mul3A_410 : vector<256x64xf32>
    %get3A_412 = arith.constant 0 : index
    %get3A_413 = arith.constant 2816 : index
    %get3A_414 = arith.constant 0 : index
    %get3A_415 = vector.load %arg2[%get3A_412, %get3A_413, %get3A_414] : memref<1x4096x128xf32, #tpu.memory_space<vmem>>, vector<1x256x64xf32>
    %get3A_416 = vector.shape_cast %get3A_415 : vector<1x256x64xf32> to vector<256x64xf32>
    %dot_general3A_417 = arith.constant dense<0.000000e+00> : vector<256x128xf32>
    %dot_general3A_418 = tpu.matmul %get3A_416, %slice3A, %dot_general3A_417 {dimension_numbers = #tpu.dot_dimension_numbers<[1], [0], [0], [1], [0, 0, 1, 1], [], []>, precision = #tpu.contract_precision<fp32>, transpose_lhs_hint = false} : vector<256x64xf32>, vector<64x128xf32>, vector<256x128xf32> -> vector<256x128xf32>
    %add3A_419 = arith.addf %dot_general3A_418, %add3A_28 : vector<256x128xf32>
    %mul3A_420 = arith.constant 5.000000e-01 : f32
    %mul3A_421 = vector.broadcast %mul3A_420 : f32 to vector<256x128xf32>
    %mul3A_422 = arith.mulf %mul3A_421, %add3A_419 : vector<256x128xf32>
    %mul3A_423 = arith.constant 0.707106769 : f32
    %mul3A_424 = vector.broadcast %mul3A_423 : f32 to vector<256x128xf32>
    %mul3A_425 = arith.mulf %add3A_419, %mul3A_424 : vector<256x128xf32>
    %erf3A_426 = math.erf %mul3A_425 : vector<256x128xf32>
    %add3A_427 = arith.constant 1.000000e+00 : f32
    %add3A_428 = vector.broadcast %add3A_427 : f32 to vector<256x128xf32>
    %add3A_429 = arith.addf %add3A_428, %erf3A_426 : vector<256x128xf32>
    %mul3A_430 = arith.mulf %mul3A_422, %add3A_429 : vector<256x128xf32>
    %dot_general3A_431 = arith.constant dense<0.000000e+00> : vector<256x64xf32>
    %dot_general3A_432 = tpu.matmul %mul3A_430, %get3A_22, %dot_general3A_431 {dimension_numbers = #tpu.dot_dimension_numbers<[1], [0], [0], [1], [0, 0, 1, 1], [], []>, precision = #tpu.contract_precision<fp32>, transpose_lhs_hint = false} : vector<256x128xf32>, vector<128x64xf32>, vector<256x64xf32> -> vector<256x64xf32>
    %add3A_433 = vector.broadcast %get3A_25 : vector<1x64xf32> to vector<256x64xf32>
    %add3A_434 = arith.addf %dot_general3A_432, %add3A_433 : vector<256x64xf32>
    %mul3A_435 = arith.constant 5.000000e-01 : f32
    %mul3A_436 = vector.broadcast %mul3A_435 : f32 to vector<256x64xf32>
    %mul3A_437 = arith.mulf %mul3A_436, %add3A_434 : vector<256x64xf32>
    %mul3A_438 = arith.constant 0.707106769 : f32
    %mul3A_439 = vector.broadcast %mul3A_438 : f32 to vector<256x64xf32>
    %mul3A_440 = arith.mulf %add3A_434, %mul3A_439 : vector<256x64xf32>
    %erf3A_441 = math.erf %mul3A_440 : vector<256x64xf32>
    %add3A_442 = arith.constant 1.000000e+00 : f32
    %add3A_443 = vector.broadcast %add3A_442 : f32 to vector<256x64xf32>
    %add3A_444 = arith.addf %add3A_443, %erf3A_441 : vector<256x64xf32>
    %mul3A_445 = arith.mulf %mul3A_437, %add3A_444 : vector<256x64xf32>
    %add3A_446 = arith.addf %add3A_411, %mul3A_445 : vector<256x64xf32>
    %get3A_447 = arith.constant 0 : index
    %get3A_448 = arith.constant 3072 : index
    %get3A_449 = arith.constant 0 : index
    %get3A_450 = vector.load %arg2[%get3A_447, %get3A_448, %get3A_449] : memref<1x4096x128xf32, #tpu.memory_space<vmem>>, vector<1x256x64xf32>
    %get3A_451 = vector.shape_cast %get3A_450 : vector<1x256x64xf32> to vector<256x64xf32>
    %dot_general3A_452 = arith.constant dense<0.000000e+00> : vector<256x128xf32>
    %dot_general3A_453 = tpu.matmul %get3A_451, %slice3A, %dot_general3A_452 {dimension_numbers = #tpu.dot_dimension_numbers<[1], [0], [0], [1], [0, 0, 1, 1], [], []>, precision = #tpu.contract_precision<fp32>, transpose_lhs_hint = false} : vector<256x64xf32>, vector<64x128xf32>, vector<256x128xf32> -> vector<256x128xf32>
    %add3A_454 = arith.addf %dot_general3A_453, %add3A_28 : vector<256x128xf32>
    %mul3A_455 = arith.constant 5.000000e-01 : f32
    %mul3A_456 = vector.broadcast %mul3A_455 : f32 to vector<256x128xf32>
    %mul3A_457 = arith.mulf %mul3A_456, %add3A_454 : vector<256x128xf32>
    %mul3A_458 = arith.constant 0.707106769 : f32
    %mul3A_459 = vector.broadcast %mul3A_458 : f32 to vector<256x128xf32>
    %mul3A_460 = arith.mulf %add3A_454, %mul3A_459 : vector<256x128xf32>
    %erf3A_461 = math.erf %mul3A_460 : vector<256x128xf32>
    %add3A_462 = arith.constant 1.000000e+00 : f32
    %add3A_463 = vector.broadcast %add3A_462 : f32 to vector<256x128xf32>
    %add3A_464 = arith.addf %add3A_463, %erf3A_461 : vector<256x128xf32>
    %mul3A_465 = arith.mulf %mul3A_457, %add3A_464 : vector<256x128xf32>
    %dot_general3A_466 = arith.constant dense<0.000000e+00> : vector<256x64xf32>
    %dot_general3A_467 = tpu.matmul %mul3A_465, %get3A_22, %dot_general3A_466 {dimension_numbers = #tpu.dot_dimension_numbers<[1], [0], [0], [1], [0, 0, 1, 1], [], []>, precision = #tpu.contract_precision<fp32>, transpose_lhs_hint = false} : vector<256x128xf32>, vector<128x64xf32>, vector<256x64xf32> -> vector<256x64xf32>
    %add3A_468 = vector.broadcast %get3A_25 : vector<1x64xf32> to vector<256x64xf32>
    %add3A_469 = arith.addf %dot_general3A_467, %add3A_468 : vector<256x64xf32>
    %mul3A_470 = arith.constant 5.000000e-01 : f32
    %mul3A_471 = vector.broadcast %mul3A_470 : f32 to vector<256x64xf32>
    %mul3A_472 = arith.mulf %mul3A_471, %add3A_469 : vector<256x64xf32>
    %mul3A_473 = arith.constant 0.707106769 : f32
    %mul3A_474 = vector.broadcast %mul3A_473 : f32 to vector<256x64xf32>
    %mul3A_475 = arith.mulf %add3A_469, %mul3A_474 : vector<256x64xf32>
    %erf3A_476 = math.erf %mul3A_475 : vector<256x64xf32>
    %add3A_477 = arith.constant 1.000000e+00 : f32
    %add3A_478 = vector.broadcast %add3A_477 : f32 to vector<256x64xf32>
    %add3A_479 = arith.addf %add3A_478, %erf3A_476 : vector<256x64xf32>
    %mul3A_480 = arith.mulf %mul3A_472, %add3A_479 : vector<256x64xf32>
    %add3A_481 = arith.addf %add3A_446, %mul3A_480 : vector<256x64xf32>
    %get3A_482 = arith.constant 0 : index
    %get3A_483 = arith.constant 3328 : index
    %get3A_484 = arith.constant 0 : index
    %get3A_485 = vector.load %arg2[%get3A_482, %get3A_483, %get3A_484] : memref<1x4096x128xf32, #tpu.memory_space<vmem>>, vector<1x256x64xf32>
    %get3A_486 = vector.shape_cast %get3A_485 : vector<1x256x64xf32> to vector<256x64xf32>
    %dot_general3A_487 = arith.constant dense<0.000000e+00> : vector<256x128xf32>
    %dot_general3A_488 = tpu.matmul %get3A_486, %slice3A, %dot_general3A_487 {dimension_numbers = #tpu.dot_dimension_numbers<[1], [0], [0], [1], [0, 0, 1, 1], [], []>, precision = #tpu.contract_precision<fp32>, transpose_lhs_hint = false} : vector<256x64xf32>, vector<64x128xf32>, vector<256x128xf32> -> vector<256x128xf32>
    %add3A_489 = arith.addf %dot_general3A_488, %add3A_28 : vector<256x128xf32>
    %mul3A_490 = arith.constant 5.000000e-01 : f32
    %mul3A_491 = vector.broadcast %mul3A_490 : f32 to vector<256x128xf32>
    %mul3A_492 = arith.mulf %mul3A_491, %add3A_489 : vector<256x128xf32>
    %mul3A_493 = arith.constant 0.707106769 : f32
    %mul3A_494 = vector.broadcast %mul3A_493 : f32 to vector<256x128xf32>
    %mul3A_495 = arith.mulf %add3A_489, %mul3A_494 : vector<256x128xf32>
    %erf3A_496 = math.erf %mul3A_495 : vector<256x128xf32>
    %add3A_497 = arith.constant 1.000000e+00 : f32
    %add3A_498 = vector.broadcast %add3A_497 : f32 to vector<256x128xf32>
    %add3A_499 = arith.addf %add3A_498, %erf3A_496 : vector<256x128xf32>
    %mul3A_500 = arith.mulf %mul3A_492, %add3A_499 : vector<256x128xf32>
    %dot_general3A_501 = arith.constant dense<0.000000e+00> : vector<256x64xf32>
    %dot_general3A_502 = tpu.matmul %mul3A_500, %get3A_22, %dot_general3A_501 {dimension_numbers = #tpu.dot_dimension_numbers<[1], [0], [0], [1], [0, 0, 1, 1], [], []>, precision = #tpu.contract_precision<fp32>, transpose_lhs_hint = false} : vector<256x128xf32>, vector<128x64xf32>, vector<256x64xf32> -> vector<256x64xf32>
    %add3A_503 = vector.broadcast %get3A_25 : vector<1x64xf32> to vector<256x64xf32>
    %add3A_504 = arith.addf %dot_general3A_502, %add3A_503 : vector<256x64xf32>
    %mul3A_505 = arith.constant 5.000000e-01 : f32
    %mul3A_506 = vector.broadcast %mul3A_505 : f32 to vector<256x64xf32>
    %mul3A_507 = arith.mulf %mul3A_506, %add3A_504 : vector<256x64xf32>
    %mul3A_508 = arith.constant 0.707106769 : f32
    %mul3A_509 = vector.broadcast %mul3A_508 : f32 to vector<256x64xf32>
    %mul3A_510 = arith.mulf %add3A_504, %mul3A_509 : vector<256x64xf32>
    %erf3A_511 = math.erf %mul3A_510 : vector<256x64xf32>
    %add3A_512 = arith.constant 1.000000e+00 : f32
    %add3A_513 = vector.broadcast %add3A_512 : f32 to vector<256x64xf32>
    %add3A_514 = arith.addf %add3A_513, %erf3A_511 : vector<256x64xf32>
    %mul3A_515 = arith.mulf %mul3A_507, %add3A_514 : vector<256x64xf32>
    %add3A_516 = arith.addf %add3A_481, %mul3A_515 : vector<256x64xf32>
    %get3A_517 = arith.constant 0 : index
    %get3A_518 = arith.constant 3584 : index
    %get3A_519 = arith.constant 0 : index
    %get3A_520 = vector.load %arg2[%get3A_517, %get3A_518, %get3A_519] : memref<1x4096x128xf32, #tpu.memory_space<vmem>>, vector<1x256x64xf32>
    %get3A_521 = vector.shape_cast %get3A_520 : vector<1x256x64xf32> to vector<256x64xf32>
    %dot_general3A_522 = arith.constant dense<0.000000e+00> : vector<256x128xf32>
    %dot_general3A_523 = tpu.matmul %get3A_521, %slice3A, %dot_general3A_522 {dimension_numbers = #tpu.dot_dimension_numbers<[1], [0], [0], [1], [0, 0, 1, 1], [], []>, precision = #tpu.contract_precision<fp32>, transpose_lhs_hint = false} : vector<256x64xf32>, vector<64x128xf32>, vector<256x128xf32> -> vector<256x128xf32>
    %add3A_524 = arith.addf %dot_general3A_523, %add3A_28 : vector<256x128xf32>
    %mul3A_525 = arith.constant 5.000000e-01 : f32
    %mul3A_526 = vector.broadcast %mul3A_525 : f32 to vector<256x128xf32>
    %mul3A_527 = arith.mulf %mul3A_526, %add3A_524 : vector<256x128xf32>
    %mul3A_528 = arith.constant 0.707106769 : f32
    %mul3A_529 = vector.broadcast %mul3A_528 : f32 to vector<256x128xf32>
    %mul3A_530 = arith.mulf %add3A_524, %mul3A_529 : vector<256x128xf32>
    %erf3A_531 = math.erf %mul3A_530 : vector<256x128xf32>
    %add3A_532 = arith.constant 1.000000e+00 : f32
    %add3A_533 = vector.broadcast %add3A_532 : f32 to vector<256x128xf32>
    %add3A_534 = arith.addf %add3A_533, %erf3A_531 : vector<256x128xf32>
    %mul3A_535 = arith.mulf %mul3A_527, %add3A_534 : vector<256x128xf32>
    %dot_general3A_536 = arith.constant dense<0.000000e+00> : vector<256x64xf32>
    %dot_general3A_537 = tpu.matmul %mul3A_535, %get3A_22, %dot_general3A_536 {dimension_numbers = #tpu.dot_dimension_numbers<[1], [0], [0], [1], [0, 0, 1, 1], [], []>, precision = #tpu.contract_precision<fp32>, transpose_lhs_hint = false} : vector<256x128xf32>, vector<128x64xf32>, vector<256x64xf32> -> vector<256x64xf32>
    %add3A_538 = vector.broadcast %get3A_25 : vector<1x64xf32> to vector<256x64xf32>
    %add3A_539 = arith.addf %dot_general3A_537, %add3A_538 : vector<256x64xf32>
    %mul3A_540 = arith.constant 5.000000e-01 : f32
    %mul3A_541 = vector.broadcast %mul3A_540 : f32 to vector<256x64xf32>
    %mul3A_542 = arith.mulf %mul3A_541, %add3A_539 : vector<256x64xf32>
    %mul3A_543 = arith.constant 0.707106769 : f32
    %mul3A_544 = vector.broadcast %mul3A_543 : f32 to vector<256x64xf32>
    %mul3A_545 = arith.mulf %add3A_539, %mul3A_544 : vector<256x64xf32>
    %erf3A_546 = math.erf %mul3A_545 : vector<256x64xf32>
    %add3A_547 = arith.constant 1.000000e+00 : f32
    %add3A_548 = vector.broadcast %add3A_547 : f32 to vector<256x64xf32>
    %add3A_549 = arith.addf %add3A_548, %erf3A_546 : vector<256x64xf32>
    %mul3A_550 = arith.mulf %mul3A_542, %add3A_549 : vector<256x64xf32>
    %add3A_551 = arith.addf %add3A_516, %mul3A_550 : vector<256x64xf32>
    %get3A_552 = arith.constant 0 : index
    %get3A_553 = arith.constant 3840 : index
    %get3A_554 = arith.constant 0 : index
    %get3A_555 = vector.load %arg2[%get3A_552, %get3A_553, %get3A_554] : memref<1x4096x128xf32, #tpu.memory_space<vmem>>, vector<1x256x64xf32>
    %get3A_556 = vector.shape_cast %get3A_555 : vector<1x256x64xf32> to vector<256x64xf32>
    %dot_general3A_557 = arith.constant dense<0.000000e+00> : vector<256x128xf32>
    %dot_general3A_558 = tpu.matmul %get3A_556, %slice3A, %dot_general3A_557 {dimension_numbers = #tpu.dot_dimension_numbers<[1], [0], [0], [1], [0, 0, 1, 1], [], []>, precision = #tpu.contract_precision<fp32>, transpose_lhs_hint = false} : vector<256x64xf32>, vector<64x128xf32>, vector<256x128xf32> -> vector<256x128xf32>
    %add3A_559 = arith.addf %dot_general3A_558, %add3A_28 : vector<256x128xf32>
    %mul3A_560 = arith.constant 5.000000e-01 : f32
    %mul3A_561 = vector.broadcast %mul3A_560 : f32 to vector<256x128xf32>
    %mul3A_562 = arith.mulf %mul3A_561, %add3A_559 : vector<256x128xf32>
    %mul3A_563 = arith.constant 0.707106769 : f32
    %mul3A_564 = vector.broadcast %mul3A_563 : f32 to vector<256x128xf32>
    %mul3A_565 = arith.mulf %add3A_559, %mul3A_564 : vector<256x128xf32>
    %erf3A_566 = math.erf %mul3A_565 : vector<256x128xf32>
    %add3A_567 = arith.constant 1.000000e+00 : f32
    %add3A_568 = vector.broadcast %add3A_567 : f32 to vector<256x128xf32>
    %add3A_569 = arith.addf %add3A_568, %erf3A_566 : vector<256x128xf32>
    %mul3A_570 = arith.mulf %mul3A_562, %add3A_569 : vector<256x128xf32>
    %dot_general3A_571 = arith.constant dense<0.000000e+00> : vector<256x64xf32>
    %dot_general3A_572 = tpu.matmul %mul3A_570, %get3A_22, %dot_general3A_571 {dimension_numbers = #tpu.dot_dimension_numbers<[1], [0], [0], [1], [0, 0, 1, 1], [], []>, precision = #tpu.contract_precision<fp32>, transpose_lhs_hint = false} : vector<256x128xf32>, vector<128x64xf32>, vector<256x64xf32> -> vector<256x64xf32>
    %add3A_573 = vector.broadcast %get3A_25 : vector<1x64xf32> to vector<256x64xf32>
    %add3A_574 = arith.addf %dot_general3A_572, %add3A_573 : vector<256x64xf32>
    %mul3A_575 = arith.constant 5.000000e-01 : f32
    %mul3A_576 = vector.broadcast %mul3A_575 : f32 to vector<256x64xf32>
    %mul3A_577 = arith.mulf %mul3A_576, %add3A_574 : vector<256x64xf32>
    %mul3A_578 = arith.constant 0.707106769 : f32
    %mul3A_579 = vector.broadcast %mul3A_578 : f32 to vector<256x64xf32>
    %mul3A_580 = arith.mulf %add3A_574, %mul3A_579 : vector<256x64xf32>
    %erf3A_581 = math.erf %mul3A_580 : vector<256x64xf32>
    %add3A_582 = arith.constant 1.000000e+00 : f32
    %add3A_583 = vector.broadcast %add3A_582 : f32 to vector<256x64xf32>
    %add3A_584 = arith.addf %add3A_583, %erf3A_581 : vector<256x64xf32>
    %mul3A_585 = arith.mulf %mul3A_577, %add3A_584 : vector<256x64xf32>
    %add3A_586 = arith.addf %add3A_551, %mul3A_585 : vector<256x64xf32>
    %mul3A_587 = arith.constant 6.250000e-02 : f32
    %mul3A_588 = vector.broadcast %mul3A_587 : f32 to vector<256x64xf32>
    %mul3A_589 = arith.mulf %add3A_586, %mul3A_588 : vector<256x64xf32>
    %swap3A = arith.constant 0 : index
    %swap3A_590 = arith.constant 0 : index
    %swap3A_591 = arith.constant 0 : index
    %swap3A_592 = vector.load %arg8[%swap3A, %swap3A_590, %swap3A_591] : memref<1x256x64xf32, #tpu.memory_space<vmem>>, vector<1x256x64xf32>
    %swap3A_593 = vector.shape_cast %swap3A_592 : vector<1x256x64xf32> to vector<256x64xf32>
    %swap3A_594 = vector.shape_cast %mul3A_589 : vector<256x64xf32> to vector<1x256x64xf32>
    tpu.vector_store %arg8[%swap3A, %swap3A_590, %swap3A_591], %swap3A_594 {strides = array<i32>} : memref<1x256x64xf32, #tpu.memory_space<vmem>>, vector<1x256x64xf32>,
    %add3A_595 = vector.broadcast %mul3A_13 : vector<256x1xf32> to vector<256x64xf32>
    %add3A_596 = arith.addf %add3A_595, %mul3A_589 : vector<256x64xf32>
    %mul3A_597 = arith.mulf %add3A_596, %add3A_596 : vector<256x64xf32>
    %reduce_sum3A = arith.constant dense<0.000000e+00> : vector<256xf32>
    %reduce_sum3A_598 = vector.multi_reduction <add>, %mul3A_597, %reduce_sum3A [1] : vector<256x64xf32> to vector<256xf32>
    %broadcast_in_dim3A = vector.shape_cast %reduce_sum3A_598 : vector<256xf32> to vector<256x1xf32>
    %reduce_sum3A_599 = arith.constant dense<0.000000e+00> : vector<256xf32>
    %reduce_sum3A_600 = vector.multi_reduction <add>, %mul3A_597, %reduce_sum3A_599 [1] : vector<256x64xf32> to vector<256xf32>
    %reshape3A = vector.shape_cast %reduce_sum3A_600 : vector<256xf32> to vector<1x256xf32>
    %dot_general3A_601 = arith.constant dense<0.000000e+00> : vector<256x256xf32>
    %dot_general3A_602 = tpu.matmul %add3A_596, %add3A_596, %dot_general3A_601 {dimension_numbers = #tpu.dot_dimension_numbers<[1], [1], [0], [0], [0, 0, 1, 0], [], []>, precision = #tpu.contract_precision<fp32>, transpose_lhs_hint = false} : vector<256x64xf32>, vector<256x64xf32>, vector<256x256xf32> -> vector<256x256xf32>
    %mul3A_603 = arith.constant 2.000000e+00 : f32
    %mul3A_604 = vector.broadcast %mul3A_603 : f32 to vector<256x256xf32>
    %mul3A_605 = arith.mulf %mul3A_604, %dot_general3A_602 : vector<256x256xf32>
    %sub3A_606 = vector.broadcast %broadcast_in_dim3A : vector<256x1xf32> to vector<256x256xf32>
    %sub3A_607 = arith.subf %sub3A_606, %mul3A_605 : vector<256x256xf32>
    %add3A_608 = vector.broadcast %reshape3A : vector<1x256xf32> to vector<256x256xf32>
    %add3A_609 = arith.addf %sub3A_607, %add3A_608 : vector<256x256xf32>
    %add3A_610 = arith.constant 9.99999974E-6 : f32
    %add3A_611 = vector.broadcast %add3A_610 : f32 to vector<256x256xf32>
    %add3A_612 = arith.addf %add3A_609, %add3A_611 : vector<256x256xf32>
    %neg3A = arith.constant 0.000000e+00 : f32
    %neg3A_613 = vector.broadcast %neg3A : f32 to vector<256x256xf32>
    %neg3A_614 = arith.subf %neg3A_613, %add3A_612 : vector<256x256xf32>
    %argmax3A = tpu.reduce_index %neg3A_614 {axis = 1 : i32, kind = #tpu.reduction_kind<arg_max>} : vector<256x256xf32> -> vector<256xi32>
    %broadcast_in_dim3A_615 = vector.shape_cast %argmax3A : vector<256xi32> to vector<256x1xi32>
    %eq3A_616 = vector.broadcast %broadcast_in_dim3A_615 : vector<256x1xi32> to vector<256x256xi32>
    %eq3A_617 = arith.cmpi eq, %iota3A, %eq3A_616 : vector<256x256xi32>
    %jit3A = arith.constant 0xFF800000 : f32
    %broadcast_in_dim3A_618 = vector.broadcast %jit3A : f32 to vector<256x256xf32>
    %select_n3A = arith.select %eq3A_617, %broadcast_in_dim3A_618, %neg3A_614 : vector<256x256xi1>, vector<256x256xf32>
    %argmax3A_619 = tpu.reduce_index %select_n3A {axis = 1 : i32, kind = #tpu.reduction_kind<arg_max>} : vector<256x256xf32> -> vector<256xi32>
    %broadcast_in_dim3A_620 = vector.shape_cast %argmax3A_619 : vector<256xi32> to vector<256x1xi32>
    %eq3A_621 = vector.broadcast %broadcast_in_dim3A_620 : vector<256x1xi32> to vector<256x256xi32>
    %eq3A_622 = arith.cmpi eq, %iota3A, %eq3A_621 : vector<256x256xi32>
    %jit3A_623 = arith.constant 0xFF800000 : f32
    %broadcast_in_dim3A_624 = vector.broadcast %jit3A_623 : f32 to vector<256x256xf32>
    %select_n3A_625 = arith.select %eq3A_622, %broadcast_in_dim3A_624, %select_n3A : vector<256x256xi1>, vector<256x256xf32>
    %argmax3A_626 = tpu.reduce_index %select_n3A_625 {axis = 1 : i32, kind = #tpu.reduction_kind<arg_max>} : vector<256x256xf32> -> vector<256xi32>
    %broadcast_in_dim3A_627 = vector.shape_cast %argmax3A_626 : vector<256xi32> to vector<256x1xi32>
    %eq3A_628 = vector.broadcast %broadcast_in_dim3A_627 : vector<256x1xi32> to vector<256x256xi32>
    %eq3A_629 = arith.cmpi eq, %iota3A, %eq3A_628 : vector<256x256xi32>
    %jit3A_630 = arith.constant 0xFF800000 : f32
    %broadcast_in_dim3A_631 = vector.broadcast %jit3A_630 : f32 to vector<256x256xf32>
    %select_n3A_632 = arith.select %eq3A_629, %broadcast_in_dim3A_631, %select_n3A_625 : vector<256x256xi1>, vector<256x256xf32>
    %argmax3A_633 = tpu.reduce_index %select_n3A_632 {axis = 1 : i32, kind = #tpu.reduction_kind<arg_max>} : vector<256x256xf32> -> vector<256xi32>
    %broadcast_in_dim3A_634 = vector.shape_cast %argmax3A_633 : vector<256xi32> to vector<256x1xi32>
    %eq3A_635 = vector.broadcast %broadcast_in_dim3A_634 : vector<256x1xi32> to vector<256x256xi32>
    %eq3A_636 = arith.cmpi eq, %iota3A, %eq3A_635 : vector<256x256xi32>
    %jit3A_637 = arith.constant 0xFF800000 : f32
    %broadcast_in_dim3A_638 = vector.broadcast %jit3A_637 : f32 to vector<256x256xf32>
    %select_n3A_639 = arith.select %eq3A_636, %broadcast_in_dim3A_638, %select_n3A_632 : vector<256x256xi1>, vector<256x256xf32>
    %argmax3A_640 = tpu.reduce_index %select_n3A_639 {axis = 1 : i32, kind = #tpu.reduction_kind<arg_max>} : vector<256x256xf32> -> vector<256xi32>
    %broadcast_in_dim3A_641 = vector.shape_cast %argmax3A_640 : vector<256xi32> to vector<256x1xi32>
    %eq3A_642 = vector.broadcast %broadcast_in_dim3A_641 : vector<256x1xi32> to vector<256x256xi32>
    %eq3A_643 = arith.cmpi eq, %iota3A, %eq3A_642 : vector<256x256xi32>
    %jit3A_644 = arith.constant 0xFF800000 : f32
    %broadcast_in_dim3A_645 = vector.broadcast %jit3A_644 : f32 to vector<256x256xf32>
    %select_n3A_646 = arith.select %eq3A_643, %broadcast_in_dim3A_645, %select_n3A_639 : vector<256x256xi1>, vector<256x256xf32>
    %argmax3A_647 = tpu.reduce_index %select_n3A_646 {axis = 1 : i32, kind = #tpu.reduction_kind<arg_max>} : vector<256x256xf32> -> vector<256xi32>
    %broadcast_in_dim3A_648 = vector.shape_cast %argmax3A_647 : vector<256xi32> to vector<256x1xi32>
    %eq3A_649 = vector.broadcast %broadcast_in_dim3A_648 : vector<256x1xi32> to vector<256x256xi32>
    %eq3A_650 = arith.cmpi eq, %iota3A, %eq3A_649 : vector<256x256xi32>
    %jit3A_651 = arith.constant 0xFF800000 : f32
    %broadcast_in_dim3A_652 = vector.broadcast %jit3A_651 : f32 to vector<256x256xf32>
    %select_n3A_653 = arith.select %eq3A_650, %broadcast_in_dim3A_652, %select_n3A_646 : vector<256x256xi1>, vector<256x256xf32>
    %argmax3A_654 = tpu.reduce_index %select_n3A_653 {axis = 1 : i32, kind = #tpu.reduction_kind<arg_max>} : vector<256x256xf32> -> vector<256xi32>
    %broadcast_in_dim3A_655 = vector.shape_cast %argmax3A_654 : vector<256xi32> to vector<256x1xi32>
    %eq3A_656 = vector.broadcast %broadcast_in_dim3A_655 : vector<256x1xi32> to vector<256x256xi32>
    %eq3A_657 = arith.cmpi eq, %iota3A, %eq3A_656 : vector<256x256xi32>
    %jit3A_658 = arith.constant 0xFF800000 : f32
    %broadcast_in_dim3A_659 = vector.broadcast %jit3A_658 : f32 to vector<256x256xf32>
    %select_n3A_660 = arith.select %eq3A_657, %broadcast_in_dim3A_659, %select_n3A_653 : vector<256x256xi1>, vector<256x256xf32>
    %argmax3A_661 = tpu.reduce_index %select_n3A_660 {axis = 1 : i32, kind = #tpu.reduction_kind<arg_max>} : vector<256x256xf32> -> vector<256xi32>
    %broadcast_in_dim3A_662 = vector.shape_cast %argmax3A_661 : vector<256xi32> to vector<256x1xi32>
    %eq3A_663 = vector.broadcast %broadcast_in_dim3A_662 : vector<256x1xi32> to vector<256x256xi32>
    %eq3A_664 = arith.cmpi eq, %iota3A, %eq3A_663 : vector<256x256xi32>
    %jit3A_665 = arith.constant 0xFF800000 : f32
    %broadcast_in_dim3A_666 = vector.broadcast %jit3A_665 : f32 to vector<256x256xf32>
    %select_n3A_667 = arith.select %eq3A_664, %broadcast_in_dim3A_666, %select_n3A_660 : vector<256x256xi1>, vector<256x256xf32>
    %argmax3A_668 = tpu.reduce_index %select_n3A_667 {axis = 1 : i32, kind = #tpu.reduction_kind<arg_max>} : vector<256x256xf32> -> vector<256xi32>
    %broadcast_in_dim3A_669 = vector.shape_cast %argmax3A_668 : vector<256xi32> to vector<256x1xi32>
    %eq3A_670 = vector.broadcast %broadcast_in_dim3A_669 : vector<256x1xi32> to vector<256x256xi32>
    %eq3A_671 = arith.cmpi eq, %iota3A, %eq3A_670 : vector<256x256xi32>
    %jit3A_672 = arith.constant 0xFF800000 : f32
    %broadcast_in_dim3A_673 = vector.broadcast %jit3A_672 : f32 to vector<256x256xf32>
    %select_n3A_674 = arith.select %eq3A_671, %broadcast_in_dim3A_673, %select_n3A_667 : vector<256x256xi1>, vector<256x256xf32>
    %argmax3A_675 = tpu.reduce_index %select_n3A_674 {axis = 1 : i32, kind = #tpu.reduction_kind<arg_max>} : vector<256x256xf32> -> vector<256xi32>
    %broadcast_in_dim3A_676 = vector.shape_cast %argmax3A_675 : vector<256xi32> to vector<256x1xi32>
    %eq3A_677 = vector.broadcast %broadcast_in_dim3A_676 : vector<256x1xi32> to vector<256x256xi32>
    %eq3A_678 = arith.cmpi eq, %iota3A, %eq3A_677 : vector<256x256xi32>
    %jit3A_679 = arith.constant 0xFF800000 : f32
    %broadcast_in_dim3A_680 = vector.broadcast %jit3A_679 : f32 to vector<256x256xf32>
    %select_n3A_681 = arith.select %eq3A_678, %broadcast_in_dim3A_680, %select_n3A_674 : vector<256x256xi1>, vector<256x256xf32>
    %argmax3A_682 = tpu.reduce_index %select_n3A_681 {axis = 1 : i32, kind = #tpu.reduction_kind<arg_max>} : vector<256x256xf32> -> vector<256xi32>
    %broadcast_in_dim3A_683 = vector.shape_cast %argmax3A_682 : vector<256xi32> to vector<256x1xi32>
    %eq3A_684 = vector.broadcast %broadcast_in_dim3A_683 : vector<256x1xi32> to vector<256x256xi32>
    %eq3A_685 = arith.cmpi eq, %iota3A, %eq3A_684 : vector<256x256xi32>
    %jit3A_686 = arith.constant 0xFF800000 : f32
    %broadcast_in_dim3A_687 = vector.broadcast %jit3A_686 : f32 to vector<256x256xf32>
    %select_n3A_688 = arith.select %eq3A_685, %broadcast_in_dim3A_687, %select_n3A_681 : vector<256x256xi1>, vector<256x256xf32>
    %argmax3A_689 = tpu.reduce_index %select_n3A_688 {axis = 1 : i32, kind = #tpu.reduction_kind<arg_max>} : vector<256x256xf32> -> vector<256xi32>
    %broadcast_in_dim3A_690 = vector.shape_cast %argmax3A_689 : vector<256xi32> to vector<256x1xi32>
    %eq3A_691 = vector.broadcast %broadcast_in_dim3A_690 : vector<256x1xi32> to vector<256x256xi32>
    %eq3A_692 = arith.cmpi eq, %iota3A, %eq3A_691 : vector<256x256xi32>
    %jit3A_693 = arith.constant 0xFF800000 : f32
    %broadcast_in_dim3A_694 = vector.broadcast %jit3A_693 : f32 to vector<256x256xf32>
    %select_n3A_695 = arith.select %eq3A_692, %broadcast_in_dim3A_694, %select_n3A_688 : vector<256x256xi1>, vector<256x256xf32>
    %argmax3A_696 = tpu.reduce_index %select_n3A_695 {axis = 1 : i32, kind = #tpu.reduction_kind<arg_max>} : vector<256x256xf32> -> vector<256xi32>
    %broadcast_in_dim3A_697 = vector.shape_cast %argmax3A_696 : vector<256xi32> to vector<256x1xi32>
    %eq3A_698 = vector.broadcast %broadcast_in_dim3A_697 : vector<256x1xi32> to vector<256x256xi32>
    %eq3A_699 = arith.cmpi eq, %iota3A, %eq3A_698 : vector<256x256xi32>
    %jit3A_700 = arith.constant 0xFF800000 : f32
    %broadcast_in_dim3A_701 = vector.broadcast %jit3A_700 : f32 to vector<256x256xf32>
    %select_n3A_702 = arith.select %eq3A_699, %broadcast_in_dim3A_701, %select_n3A_695 : vector<256x256xi1>, vector<256x256xf32>
    %argmax3A_703 = tpu.reduce_index %select_n3A_702 {axis = 1 : i32, kind = #tpu.reduction_kind<arg_max>} : vector<256x256xf32> -> vector<256xi32>
    %broadcast_in_dim3A_704 = vector.shape_cast %argmax3A_703 : vector<256xi32> to vector<256x1xi32>
    %eq3A_705 = vector.broadcast %broadcast_in_dim3A_704 : vector<256x1xi32> to vector<256x256xi32>
    %eq3A_706 = arith.cmpi eq, %iota3A, %eq3A_705 : vector<256x256xi32>
    %jit3A_707 = arith.constant 0xFF800000 : f32
    %broadcast_in_dim3A_708 = vector.broadcast %jit3A_707 : f32 to vector<256x256xf32>
    %select_n3A_709 = arith.select %eq3A_706, %broadcast_in_dim3A_708, %select_n3A_702 : vector<256x256xi1>, vector<256x256xf32>
    %argmax3A_710 = tpu.reduce_index %select_n3A_709 {axis = 1 : i32, kind = #tpu.reduction_kind<arg_max>} : vector<256x256xf32> -> vector<256xi32>
    %broadcast_in_dim3A_711 = vector.shape_cast %argmax3A_710 : vector<256xi32> to vector<256x1xi32>
    %eq3A_712 = vector.broadcast %broadcast_in_dim3A_711 : vector<256x1xi32> to vector<256x256xi32>
    %eq3A_713 = arith.cmpi eq, %iota3A, %eq3A_712 : vector<256x256xi32>
    %jit3A_714 = arith.constant 0xFF800000 : f32
    %broadcast_in_dim3A_715 = vector.broadcast %jit3A_714 : f32 to vector<256x256xf32>
    %select_n3A_716 = arith.select %eq3A_713, %broadcast_in_dim3A_715, %select_n3A_709 : vector<256x256xi1>, vector<256x256xf32>
    %argmax3A_717 = tpu.reduce_index %select_n3A_716 {axis = 1 : i32, kind = #tpu.reduction_kind<arg_max>} : vector<256x256xf32> -> vector<256xi32>
    %broadcast_in_dim3A_718 = vector.shape_cast %argmax3A_717 : vector<256xi32> to vector<256x1xi32>
    %eq3A_719 = vector.broadcast %broadcast_in_dim3A_718 : vector<256x1xi32> to vector<256x256xi32>
    %eq3A_720 = arith.cmpi eq, %iota3A, %eq3A_719 : vector<256x256xi32>
    %jit3A_721 = arith.constant 0xFF800000 : f32
    %broadcast_in_dim3A_722 = vector.broadcast %jit3A_721 : f32 to vector<256x256xf32>
    %select_n3A_723 = arith.select %eq3A_720, %broadcast_in_dim3A_722, %select_n3A_716 : vector<256x256xi1>, vector<256x256xf32>
    %argmax3A_724 = tpu.reduce_index %select_n3A_723 {axis = 1 : i32, kind = #tpu.reduction_kind<arg_max>} : vector<256x256xf32> -> vector<256xi32>
    %broadcast_in_dim3A_725 = vector.shape_cast %argmax3A_724 : vector<256xi32> to vector<256x1xi32>
    %mul3A_726 = arith.constant 256 : i32
    %mul3A_727 = arith.muli %arg0, %mul3A_726 : i32
    %concatenate3A = tpu.concatenate %broadcast_in_dim3A_620, %broadcast_in_dim3A_627, %broadcast_in_dim3A_634, %broadcast_in_dim3A_641, %broadcast_in_dim3A_648, %broadcast_in_dim3A_655, %broadcast_in_dim3A_662, %broadcast_in_dim3A_669, %broadcast_in_dim3A_676, %broadcast_in_dim3A_683, %broadcast_in_dim3A_690, %broadcast_in_dim3A_697, %broadcast_in_dim3A_704, %broadcast_in_dim3A_711, %broadcast_in_dim3A_718, %broadcast_in_dim3A_725 in 1 : vector<256x1xi32>, vector<256x1xi32>, vector<256x1xi32>, vector<256x1xi32>, vector<256x1xi32>, vector<256x1xi32>, vector<256x1xi32>, vector<256x1xi32>, vector<256x1xi32>, vector<256x1xi32>, vector<256x1xi32>, vector<256x1xi32>, vector<256x1xi32>, vector<256x1xi32>, vector<256x1xi32>, vector<256x1xi32> -> vector<256x16xi32>
    %transpose3A = tpu.transpose %concatenate3A, [1, 0] : vector<256x16xi32> -> vector<16x256xi32>
    %add3A_728 = vector.broadcast %mul3A_727 : i32 to vector<16x256xi32>
    %add3A_729 = arith.addi %transpose3A, %add3A_728 : vector<16x256xi32>
    %swap3A_730 = arith.constant 0 : index
    %swap3A_731 = arith.constant 0 : index
    %swap3A_732 = arith.constant 0 : index
    %swap3A_733 = vector.load %arg9[%swap3A_730, %swap3A_731, %swap3A_732] : memref<1x16x256xi32, #tpu.memory_space<vmem>>, vector<1x16x256xi32>
    %swap3A_734 = vector.shape_cast %swap3A_733 : vector<1x16x256xi32> to vector<16x256xi32>
    %swap3A_735 = vector.shape_cast %add3A_729 : vector<16x256xi32> to vector<1x16x256xi32>
    tpu.vector_store %arg9[%swap3A_730, %swap3A_731, %swap3A_732], %swap3A_735 {strides = array<i32>} : memref<1x16x256xi32, #tpu.memory_space<vmem>>, vector<1x16x256xi32>,
    return
  }
  func.func @transform_0(%arg0: i32) -> (i32, i32, i32) {
    %c0_i32 = arith.constant 0 : i32
    %c0_i32_0 = arith.constant 0 : i32
    %c0_i32_1 = arith.constant 0 : i32
    return %arg0, %c0_i32, %c0_i32_0 : i32, i32, i32
  }
  func.func @transform_1(%arg0: i32) -> (i32, i32, i32) {
    %c0_i32 = arith.constant 0 : i32
    %c0_i32_0 = arith.constant 0 : i32
    %c0_i32_1 = arith.constant 0 : i32
    return %arg0, %c0_i32, %c0_i32_0 : i32, i32, i32
  }
  func.func @transform_2(%arg0: i32) -> (i32, i32, i32) {
    %c0_i32 = arith.constant 0 : i32
    %c0_i32_0 = arith.constant 0 : i32
    %c0_i32_1 = arith.constant 0 : i32
    return %arg0, %c0_i32, %c0_i32_0 : i32, i32, i32
  }
  func.func @transform_3(%arg0: i32) -> (i32, i32) {
    %c0_i32 = arith.constant 0 : i32
    %c0_i32_0 = arith.constant 0 : i32
    %c0_i32_1 = arith.constant 0 : i32
    return %c0_i32, %c0_i32_0 : i32, i32
  }
  func.func @transform_4(%arg0: i32) -> (i32, i32) {
    %c0_i32 = arith.constant 0 : i32
    %c0_i32_0 = arith.constant 0 : i32
    %c0_i32_1 = arith.constant 0 : i32
    return %c0_i32, %c0_i32_0 : i32, i32
  }
  func.func @transform_5(%arg0: i32) -> (i32, i32) {
    %c0_i32 = arith.constant 0 : i32
    %c0_i32_0 = arith.constant 0 : i32
    %c0_i32_1 = arith.constant 0 : i32
    return %c0_i32, %c0_i32_0 : i32, i32
  }
  func.func @transform_6(%arg0: i32) -> (i32, i32) {
    %c0_i32 = arith.constant 0 : i32
    %c0_i32_0 = arith.constant 0 : i32
    %c0_i32_1 = arith.constant 0 : i32
    return %c0_i32, %c0_i32_0 : i32, i32
  }
  func.func @transform_7(%arg0: i32) -> (i32, i32, i32) {
    %c0_i32 = arith.constant 0 : i32
    %c0_i32_0 = arith.constant 0 : i32
    %c0_i32_1 = arith.constant 0 : i32
    return %arg0, %c0_i32, %c0_i32_0 : i32, i32, i32
  }
  func.func @transform_8(%arg0: i32) -> (i32, i32, i32) {
    %c0_i32 = arith.constant 0 : i32
    %c0_i32_0 = arith.constant 0 : i32
    %c0_i32_1 = arith.constant 0 : i32
    return %arg0, %c0_i32, %c0_i32_0 : i32, i32, i32
  }
}

module attributes {stable_mosaic.version = 14 : i64} {
  func.func @_body_c(%arg0: i32, %arg1: memref<1x256x64xf32, #tpu.memory_space<vmem>>, %arg2: memref<1x4096x128xf32, #tpu.memory_space<vmem>>, %arg3: memref<1x256x1xf32, #tpu.memory_space<vmem>>, %arg4: memref<128x128xf32, #tpu.memory_space<vmem>>, %arg5: memref<1x128xf32, #tpu.memory_space<vmem>>, %arg6: memref<128x64xf32, #tpu.memory_space<vmem>>, %arg7: memref<1x64xf32, #tpu.memory_space<vmem>>, %arg8: memref<1x256x64xf32, #tpu.memory_space<vmem>>) attributes {dimension_semantics = [#tpu.dimension_semantics<arbitrary>], iteration_bounds = array<i64: 64>, scalar_prefetch = 0 : i64, scratch_operands = 0 : i64, tpu.core_type = #tpu.core_type<tc>, window_params = [{transform_indices = @transform_0, window_bounds = array<i64: 1, 256, 64>}, {transform_indices = @transform_1, window_bounds = array<i64: 1, 4096, 128>}, {transform_indices = @transform_2, window_bounds = array<i64: 1, 256, 1>}, {pipeline_mode = #tpu.pipeline_mode<synchronous>, transform_indices = @transform_3, window_bounds = array<i64: 128, 128>}, {pipeline_mode = #tpu.pipeline_mode<synchronous>, transform_indices = @transform_4, window_bounds = array<i64: 1, 128>}, {pipeline_mode = #tpu.pipeline_mode<synchronous>, transform_indices = @transform_5, window_bounds = array<i64: 128, 64>}, {pipeline_mode = #tpu.pipeline_mode<synchronous>, transform_indices = @transform_6, window_bounds = array<i64: 1, 64>}, {transform_indices = @transform_7, window_bounds = array<i64: 1, 256, 64>}]} {
    %get3A = arith.constant 0 : index
    %get3A_0 = arith.constant 0 : index
    %get3A_1 = arith.constant 0 : index
    %get3A_2 = vector.load %arg1[%get3A, %get3A_0, %get3A_1] : memref<1x256x64xf32, #tpu.memory_space<vmem>>, vector<1x256x64xf32>
    %get3A_3 = vector.shape_cast %get3A_2 : vector<1x256x64xf32> to vector<256x64xf32>
    %get3A_4 = arith.constant 0 : index
    %get3A_5 = arith.constant 0 : index
    %get3A_6 = arith.constant 0 : index
    %get3A_7 = vector.load %arg3[%get3A_4, %get3A_5, %get3A_6] : memref<1x256x1xf32, #tpu.memory_space<vmem>>, vector<1x256x1xf32>
    %get3A_8 = vector.shape_cast %get3A_7 : vector<1x256x1xf32> to vector<256x1xf32>
    %get3A_9 = arith.constant 0 : index
    %get3A_10 = arith.constant 0 : index
    %get3A_11 = vector.load %arg4[%get3A_9, %get3A_10] : memref<128x128xf32, #tpu.memory_space<vmem>>, vector<128x128xf32>
    %get3A_12 = arith.constant 0 : index
    %get3A_13 = arith.constant 0 : index
    %get3A_14 = vector.load %arg5[%get3A_12, %get3A_13] : memref<1x128xf32, #tpu.memory_space<vmem>>, vector<1x128xf32>
    %get3A_15 = arith.constant 0 : index
    %get3A_16 = arith.constant 0 : index
    %get3A_17 = vector.load %arg6[%get3A_15, %get3A_16] : memref<128x64xf32, #tpu.memory_space<vmem>>, vector<128x64xf32>
    %get3A_18 = arith.constant 0 : index
    %get3A_19 = arith.constant 0 : index
    %get3A_20 = vector.load %arg7[%get3A_18, %get3A_19] : memref<1x64xf32, #tpu.memory_space<vmem>>, vector<1x64xf32>
    %slice3A = vector.extract_strided_slice %get3A_11 {offsets = [0, 0], sizes = [64, 128], strides = [1, 1]} : vector<128x128xf32> to vector<64x128xf32>
    %slice3A_21 = vector.extract_strided_slice %get3A_11 {offsets = [64, 0], sizes = [64, 128], strides = [1, 1]} : vector<128x128xf32> to vector<64x128xf32>
    %sub3A = arith.subf %slice3A_21, %slice3A : vector<64x128xf32>
    %dot_general3A = arith.constant dense<0.000000e+00> : vector<256x128xf32>
    %dot_general3A_22 = tpu.matmul %get3A_3, %sub3A, %dot_general3A {dimension_numbers = #tpu.dot_dimension_numbers<[1], [0], [0], [1], [0, 0, 1, 1], [], []>, transpose_lhs_hint = false} : vector<256x64xf32>, vector<64x128xf32>, vector<256x128xf32> -> vector<256x128xf32>
    %add3A = vector.broadcast %get3A_14 : vector<1x128xf32> to vector<256x128xf32>
    %add3A_23 = arith.addf %dot_general3A_22, %add3A : vector<256x128xf32>
    %get3A_24 = arith.constant 0 : index
    %get3A_25 = arith.constant 0 : index
    %get3A_26 = arith.constant 0 : index
    %get3A_27 = vector.load %arg2[%get3A_24, %get3A_25, %get3A_26] : memref<1x4096x128xf32, #tpu.memory_space<vmem>>, vector<1x256x64xf32>
    %get3A_28 = vector.shape_cast %get3A_27 : vector<1x256x64xf32> to vector<256x64xf32>
    %dot_general3A_29 = arith.constant dense<0.000000e+00> : vector<256x128xf32>
    %dot_general3A_30 = tpu.matmul %get3A_28, %slice3A, %dot_general3A_29 {dimension_numbers = #tpu.dot_dimension_numbers<[1], [0], [0], [1], [0, 0, 1, 1], [], []>, transpose_lhs_hint = false} : vector<256x64xf32>, vector<64x128xf32>, vector<256x128xf32> -> vector<256x128xf32>
    %add3A_31 = arith.addf %dot_general3A_30, %add3A_23 : vector<256x128xf32>
    %mul3A = arith.constant 5.000000e-01 : f32
    %mul3A_32 = vector.broadcast %mul3A : f32 to vector<256x128xf32>
    %mul3A_33 = arith.mulf %mul3A_32, %add3A_31 : vector<256x128xf32>
    %mul3A_34 = arith.constant 0.707106769 : f32
    %mul3A_35 = vector.broadcast %mul3A_34 : f32 to vector<256x128xf32>
    %mul3A_36 = arith.mulf %add3A_31, %mul3A_35 : vector<256x128xf32>
    %erf3A = math.erf %mul3A_36 : vector<256x128xf32>
    %add3A_37 = arith.constant 1.000000e+00 : f32
    %add3A_38 = vector.broadcast %add3A_37 : f32 to vector<256x128xf32>
    %add3A_39 = arith.addf %add3A_38, %erf3A : vector<256x128xf32>
    %mul3A_40 = arith.mulf %mul3A_33, %add3A_39 : vector<256x128xf32>
    %dot_general3A_41 = arith.constant dense<0.000000e+00> : vector<256x64xf32>
    %dot_general3A_42 = tpu.matmul %mul3A_40, %get3A_17, %dot_general3A_41 {dimension_numbers = #tpu.dot_dimension_numbers<[1], [0], [0], [1], [0, 0, 1, 1], [], []>, transpose_lhs_hint = false} : vector<256x128xf32>, vector<128x64xf32>, vector<256x64xf32> -> vector<256x64xf32>
    %add3A_43 = vector.broadcast %get3A_20 : vector<1x64xf32> to vector<256x64xf32>
    %add3A_44 = arith.addf %dot_general3A_42, %add3A_43 : vector<256x64xf32>
    %mul3A_45 = arith.constant 5.000000e-01 : f32
    %mul3A_46 = vector.broadcast %mul3A_45 : f32 to vector<256x64xf32>
    %mul3A_47 = arith.mulf %mul3A_46, %add3A_44 : vector<256x64xf32>
    %mul3A_48 = arith.constant 0.707106769 : f32
    %mul3A_49 = vector.broadcast %mul3A_48 : f32 to vector<256x64xf32>
    %mul3A_50 = arith.mulf %add3A_44, %mul3A_49 : vector<256x64xf32>
    %erf3A_51 = math.erf %mul3A_50 : vector<256x64xf32>
    %add3A_52 = arith.constant 1.000000e+00 : f32
    %add3A_53 = vector.broadcast %add3A_52 : f32 to vector<256x64xf32>
    %add3A_54 = arith.addf %add3A_53, %erf3A_51 : vector<256x64xf32>
    %mul3A_55 = arith.mulf %mul3A_47, %add3A_54 : vector<256x64xf32>
    %get3A_56 = arith.constant 0 : index
    %get3A_57 = arith.constant 256 : index
    %get3A_58 = arith.constant 0 : index
    %get3A_59 = vector.load %arg2[%get3A_56, %get3A_57, %get3A_58] : memref<1x4096x128xf32, #tpu.memory_space<vmem>>, vector<1x256x64xf32>
    %get3A_60 = vector.shape_cast %get3A_59 : vector<1x256x64xf32> to vector<256x64xf32>
    %dot_general3A_61 = arith.constant dense<0.000000e+00> : vector<256x128xf32>
    %dot_general3A_62 = tpu.matmul %get3A_60, %slice3A, %dot_general3A_61 {dimension_numbers = #tpu.dot_dimension_numbers<[1], [0], [0], [1], [0, 0, 1, 1], [], []>, transpose_lhs_hint = false} : vector<256x64xf32>, vector<64x128xf32>, vector<256x128xf32> -> vector<256x128xf32>
    %add3A_63 = arith.addf %dot_general3A_62, %add3A_23 : vector<256x128xf32>
    %mul3A_64 = arith.constant 5.000000e-01 : f32
    %mul3A_65 = vector.broadcast %mul3A_64 : f32 to vector<256x128xf32>
    %mul3A_66 = arith.mulf %mul3A_65, %add3A_63 : vector<256x128xf32>
    %mul3A_67 = arith.constant 0.707106769 : f32
    %mul3A_68 = vector.broadcast %mul3A_67 : f32 to vector<256x128xf32>
    %mul3A_69 = arith.mulf %add3A_63, %mul3A_68 : vector<256x128xf32>
    %erf3A_70 = math.erf %mul3A_69 : vector<256x128xf32>
    %add3A_71 = arith.constant 1.000000e+00 : f32
    %add3A_72 = vector.broadcast %add3A_71 : f32 to vector<256x128xf32>
    %add3A_73 = arith.addf %add3A_72, %erf3A_70 : vector<256x128xf32>
    %mul3A_74 = arith.mulf %mul3A_66, %add3A_73 : vector<256x128xf32>
    %dot_general3A_75 = arith.constant dense<0.000000e+00> : vector<256x64xf32>
    %dot_general3A_76 = tpu.matmul %mul3A_74, %get3A_17, %dot_general3A_75 {dimension_numbers = #tpu.dot_dimension_numbers<[1], [0], [0], [1], [0, 0, 1, 1], [], []>, transpose_lhs_hint = false} : vector<256x128xf32>, vector<128x64xf32>, vector<256x64xf32> -> vector<256x64xf32>
    %add3A_77 = vector.broadcast %get3A_20 : vector<1x64xf32> to vector<256x64xf32>
    %add3A_78 = arith.addf %dot_general3A_76, %add3A_77 : vector<256x64xf32>
    %mul3A_79 = arith.constant 5.000000e-01 : f32
    %mul3A_80 = vector.broadcast %mul3A_79 : f32 to vector<256x64xf32>
    %mul3A_81 = arith.mulf %mul3A_80, %add3A_78 : vector<256x64xf32>
    %mul3A_82 = arith.constant 0.707106769 : f32
    %mul3A_83 = vector.broadcast %mul3A_82 : f32 to vector<256x64xf32>
    %mul3A_84 = arith.mulf %add3A_78, %mul3A_83 : vector<256x64xf32>
    %erf3A_85 = math.erf %mul3A_84 : vector<256x64xf32>
    %add3A_86 = arith.constant 1.000000e+00 : f32
    %add3A_87 = vector.broadcast %add3A_86 : f32 to vector<256x64xf32>
    %add3A_88 = arith.addf %add3A_87, %erf3A_85 : vector<256x64xf32>
    %mul3A_89 = arith.mulf %mul3A_81, %add3A_88 : vector<256x64xf32>
    %add3A_90 = arith.addf %mul3A_55, %mul3A_89 : vector<256x64xf32>
    %get3A_91 = arith.constant 0 : index
    %get3A_92 = arith.constant 512 : index
    %get3A_93 = arith.constant 0 : index
    %get3A_94 = vector.load %arg2[%get3A_91, %get3A_92, %get3A_93] : memref<1x4096x128xf32, #tpu.memory_space<vmem>>, vector<1x256x64xf32>
    %get3A_95 = vector.shape_cast %get3A_94 : vector<1x256x64xf32> to vector<256x64xf32>
    %dot_general3A_96 = arith.constant dense<0.000000e+00> : vector<256x128xf32>
    %dot_general3A_97 = tpu.matmul %get3A_95, %slice3A, %dot_general3A_96 {dimension_numbers = #tpu.dot_dimension_numbers<[1], [0], [0], [1], [0, 0, 1, 1], [], []>, transpose_lhs_hint = false} : vector<256x64xf32>, vector<64x128xf32>, vector<256x128xf32> -> vector<256x128xf32>
    %add3A_98 = arith.addf %dot_general3A_97, %add3A_23 : vector<256x128xf32>
    %mul3A_99 = arith.constant 5.000000e-01 : f32
    %mul3A_100 = vector.broadcast %mul3A_99 : f32 to vector<256x128xf32>
    %mul3A_101 = arith.mulf %mul3A_100, %add3A_98 : vector<256x128xf32>
    %mul3A_102 = arith.constant 0.707106769 : f32
    %mul3A_103 = vector.broadcast %mul3A_102 : f32 to vector<256x128xf32>
    %mul3A_104 = arith.mulf %add3A_98, %mul3A_103 : vector<256x128xf32>
    %erf3A_105 = math.erf %mul3A_104 : vector<256x128xf32>
    %add3A_106 = arith.constant 1.000000e+00 : f32
    %add3A_107 = vector.broadcast %add3A_106 : f32 to vector<256x128xf32>
    %add3A_108 = arith.addf %add3A_107, %erf3A_105 : vector<256x128xf32>
    %mul3A_109 = arith.mulf %mul3A_101, %add3A_108 : vector<256x128xf32>
    %dot_general3A_110 = arith.constant dense<0.000000e+00> : vector<256x64xf32>
    %dot_general3A_111 = tpu.matmul %mul3A_109, %get3A_17, %dot_general3A_110 {dimension_numbers = #tpu.dot_dimension_numbers<[1], [0], [0], [1], [0, 0, 1, 1], [], []>, transpose_lhs_hint = false} : vector<256x128xf32>, vector<128x64xf32>, vector<256x64xf32> -> vector<256x64xf32>
    %add3A_112 = vector.broadcast %get3A_20 : vector<1x64xf32> to vector<256x64xf32>
    %add3A_113 = arith.addf %dot_general3A_111, %add3A_112 : vector<256x64xf32>
    %mul3A_114 = arith.constant 5.000000e-01 : f32
    %mul3A_115 = vector.broadcast %mul3A_114 : f32 to vector<256x64xf32>
    %mul3A_116 = arith.mulf %mul3A_115, %add3A_113 : vector<256x64xf32>
    %mul3A_117 = arith.constant 0.707106769 : f32
    %mul3A_118 = vector.broadcast %mul3A_117 : f32 to vector<256x64xf32>
    %mul3A_119 = arith.mulf %add3A_113, %mul3A_118 : vector<256x64xf32>
    %erf3A_120 = math.erf %mul3A_119 : vector<256x64xf32>
    %add3A_121 = arith.constant 1.000000e+00 : f32
    %add3A_122 = vector.broadcast %add3A_121 : f32 to vector<256x64xf32>
    %add3A_123 = arith.addf %add3A_122, %erf3A_120 : vector<256x64xf32>
    %mul3A_124 = arith.mulf %mul3A_116, %add3A_123 : vector<256x64xf32>
    %add3A_125 = arith.addf %add3A_90, %mul3A_124 : vector<256x64xf32>
    %get3A_126 = arith.constant 0 : index
    %get3A_127 = arith.constant 768 : index
    %get3A_128 = arith.constant 0 : index
    %get3A_129 = vector.load %arg2[%get3A_126, %get3A_127, %get3A_128] : memref<1x4096x128xf32, #tpu.memory_space<vmem>>, vector<1x256x64xf32>
    %get3A_130 = vector.shape_cast %get3A_129 : vector<1x256x64xf32> to vector<256x64xf32>
    %dot_general3A_131 = arith.constant dense<0.000000e+00> : vector<256x128xf32>
    %dot_general3A_132 = tpu.matmul %get3A_130, %slice3A, %dot_general3A_131 {dimension_numbers = #tpu.dot_dimension_numbers<[1], [0], [0], [1], [0, 0, 1, 1], [], []>, transpose_lhs_hint = false} : vector<256x64xf32>, vector<64x128xf32>, vector<256x128xf32> -> vector<256x128xf32>
    %add3A_133 = arith.addf %dot_general3A_132, %add3A_23 : vector<256x128xf32>
    %mul3A_134 = arith.constant 5.000000e-01 : f32
    %mul3A_135 = vector.broadcast %mul3A_134 : f32 to vector<256x128xf32>
    %mul3A_136 = arith.mulf %mul3A_135, %add3A_133 : vector<256x128xf32>
    %mul3A_137 = arith.constant 0.707106769 : f32
    %mul3A_138 = vector.broadcast %mul3A_137 : f32 to vector<256x128xf32>
    %mul3A_139 = arith.mulf %add3A_133, %mul3A_138 : vector<256x128xf32>
    %erf3A_140 = math.erf %mul3A_139 : vector<256x128xf32>
    %add3A_141 = arith.constant 1.000000e+00 : f32
    %add3A_142 = vector.broadcast %add3A_141 : f32 to vector<256x128xf32>
    %add3A_143 = arith.addf %add3A_142, %erf3A_140 : vector<256x128xf32>
    %mul3A_144 = arith.mulf %mul3A_136, %add3A_143 : vector<256x128xf32>
    %dot_general3A_145 = arith.constant dense<0.000000e+00> : vector<256x64xf32>
    %dot_general3A_146 = tpu.matmul %mul3A_144, %get3A_17, %dot_general3A_145 {dimension_numbers = #tpu.dot_dimension_numbers<[1], [0], [0], [1], [0, 0, 1, 1], [], []>, transpose_lhs_hint = false} : vector<256x128xf32>, vector<128x64xf32>, vector<256x64xf32> -> vector<256x64xf32>
    %add3A_147 = vector.broadcast %get3A_20 : vector<1x64xf32> to vector<256x64xf32>
    %add3A_148 = arith.addf %dot_general3A_146, %add3A_147 : vector<256x64xf32>
    %mul3A_149 = arith.constant 5.000000e-01 : f32
    %mul3A_150 = vector.broadcast %mul3A_149 : f32 to vector<256x64xf32>
    %mul3A_151 = arith.mulf %mul3A_150, %add3A_148 : vector<256x64xf32>
    %mul3A_152 = arith.constant 0.707106769 : f32
    %mul3A_153 = vector.broadcast %mul3A_152 : f32 to vector<256x64xf32>
    %mul3A_154 = arith.mulf %add3A_148, %mul3A_153 : vector<256x64xf32>
    %erf3A_155 = math.erf %mul3A_154 : vector<256x64xf32>
    %add3A_156 = arith.constant 1.000000e+00 : f32
    %add3A_157 = vector.broadcast %add3A_156 : f32 to vector<256x64xf32>
    %add3A_158 = arith.addf %add3A_157, %erf3A_155 : vector<256x64xf32>
    %mul3A_159 = arith.mulf %mul3A_151, %add3A_158 : vector<256x64xf32>
    %add3A_160 = arith.addf %add3A_125, %mul3A_159 : vector<256x64xf32>
    %get3A_161 = arith.constant 0 : index
    %get3A_162 = arith.constant 1024 : index
    %get3A_163 = arith.constant 0 : index
    %get3A_164 = vector.load %arg2[%get3A_161, %get3A_162, %get3A_163] : memref<1x4096x128xf32, #tpu.memory_space<vmem>>, vector<1x256x64xf32>
    %get3A_165 = vector.shape_cast %get3A_164 : vector<1x256x64xf32> to vector<256x64xf32>
    %dot_general3A_166 = arith.constant dense<0.000000e+00> : vector<256x128xf32>
    %dot_general3A_167 = tpu.matmul %get3A_165, %slice3A, %dot_general3A_166 {dimension_numbers = #tpu.dot_dimension_numbers<[1], [0], [0], [1], [0, 0, 1, 1], [], []>, transpose_lhs_hint = false} : vector<256x64xf32>, vector<64x128xf32>, vector<256x128xf32> -> vector<256x128xf32>
    %add3A_168 = arith.addf %dot_general3A_167, %add3A_23 : vector<256x128xf32>
    %mul3A_169 = arith.constant 5.000000e-01 : f32
    %mul3A_170 = vector.broadcast %mul3A_169 : f32 to vector<256x128xf32>
    %mul3A_171 = arith.mulf %mul3A_170, %add3A_168 : vector<256x128xf32>
    %mul3A_172 = arith.constant 0.707106769 : f32
    %mul3A_173 = vector.broadcast %mul3A_172 : f32 to vector<256x128xf32>
    %mul3A_174 = arith.mulf %add3A_168, %mul3A_173 : vector<256x128xf32>
    %erf3A_175 = math.erf %mul3A_174 : vector<256x128xf32>
    %add3A_176 = arith.constant 1.000000e+00 : f32
    %add3A_177 = vector.broadcast %add3A_176 : f32 to vector<256x128xf32>
    %add3A_178 = arith.addf %add3A_177, %erf3A_175 : vector<256x128xf32>
    %mul3A_179 = arith.mulf %mul3A_171, %add3A_178 : vector<256x128xf32>
    %dot_general3A_180 = arith.constant dense<0.000000e+00> : vector<256x64xf32>
    %dot_general3A_181 = tpu.matmul %mul3A_179, %get3A_17, %dot_general3A_180 {dimension_numbers = #tpu.dot_dimension_numbers<[1], [0], [0], [1], [0, 0, 1, 1], [], []>, transpose_lhs_hint = false} : vector<256x128xf32>, vector<128x64xf32>, vector<256x64xf32> -> vector<256x64xf32>
    %add3A_182 = vector.broadcast %get3A_20 : vector<1x64xf32> to vector<256x64xf32>
    %add3A_183 = arith.addf %dot_general3A_181, %add3A_182 : vector<256x64xf32>
    %mul3A_184 = arith.constant 5.000000e-01 : f32
    %mul3A_185 = vector.broadcast %mul3A_184 : f32 to vector<256x64xf32>
    %mul3A_186 = arith.mulf %mul3A_185, %add3A_183 : vector<256x64xf32>
    %mul3A_187 = arith.constant 0.707106769 : f32
    %mul3A_188 = vector.broadcast %mul3A_187 : f32 to vector<256x64xf32>
    %mul3A_189 = arith.mulf %add3A_183, %mul3A_188 : vector<256x64xf32>
    %erf3A_190 = math.erf %mul3A_189 : vector<256x64xf32>
    %add3A_191 = arith.constant 1.000000e+00 : f32
    %add3A_192 = vector.broadcast %add3A_191 : f32 to vector<256x64xf32>
    %add3A_193 = arith.addf %add3A_192, %erf3A_190 : vector<256x64xf32>
    %mul3A_194 = arith.mulf %mul3A_186, %add3A_193 : vector<256x64xf32>
    %add3A_195 = arith.addf %add3A_160, %mul3A_194 : vector<256x64xf32>
    %get3A_196 = arith.constant 0 : index
    %get3A_197 = arith.constant 1280 : index
    %get3A_198 = arith.constant 0 : index
    %get3A_199 = vector.load %arg2[%get3A_196, %get3A_197, %get3A_198] : memref<1x4096x128xf32, #tpu.memory_space<vmem>>, vector<1x256x64xf32>
    %get3A_200 = vector.shape_cast %get3A_199 : vector<1x256x64xf32> to vector<256x64xf32>
    %dot_general3A_201 = arith.constant dense<0.000000e+00> : vector<256x128xf32>
    %dot_general3A_202 = tpu.matmul %get3A_200, %slice3A, %dot_general3A_201 {dimension_numbers = #tpu.dot_dimension_numbers<[1], [0], [0], [1], [0, 0, 1, 1], [], []>, transpose_lhs_hint = false} : vector<256x64xf32>, vector<64x128xf32>, vector<256x128xf32> -> vector<256x128xf32>
    %add3A_203 = arith.addf %dot_general3A_202, %add3A_23 : vector<256x128xf32>
    %mul3A_204 = arith.constant 5.000000e-01 : f32
    %mul3A_205 = vector.broadcast %mul3A_204 : f32 to vector<256x128xf32>
    %mul3A_206 = arith.mulf %mul3A_205, %add3A_203 : vector<256x128xf32>
    %mul3A_207 = arith.constant 0.707106769 : f32
    %mul3A_208 = vector.broadcast %mul3A_207 : f32 to vector<256x128xf32>
    %mul3A_209 = arith.mulf %add3A_203, %mul3A_208 : vector<256x128xf32>
    %erf3A_210 = math.erf %mul3A_209 : vector<256x128xf32>
    %add3A_211 = arith.constant 1.000000e+00 : f32
    %add3A_212 = vector.broadcast %add3A_211 : f32 to vector<256x128xf32>
    %add3A_213 = arith.addf %add3A_212, %erf3A_210 : vector<256x128xf32>
    %mul3A_214 = arith.mulf %mul3A_206, %add3A_213 : vector<256x128xf32>
    %dot_general3A_215 = arith.constant dense<0.000000e+00> : vector<256x64xf32>
    %dot_general3A_216 = tpu.matmul %mul3A_214, %get3A_17, %dot_general3A_215 {dimension_numbers = #tpu.dot_dimension_numbers<[1], [0], [0], [1], [0, 0, 1, 1], [], []>, transpose_lhs_hint = false} : vector<256x128xf32>, vector<128x64xf32>, vector<256x64xf32> -> vector<256x64xf32>
    %add3A_217 = vector.broadcast %get3A_20 : vector<1x64xf32> to vector<256x64xf32>
    %add3A_218 = arith.addf %dot_general3A_216, %add3A_217 : vector<256x64xf32>
    %mul3A_219 = arith.constant 5.000000e-01 : f32
    %mul3A_220 = vector.broadcast %mul3A_219 : f32 to vector<256x64xf32>
    %mul3A_221 = arith.mulf %mul3A_220, %add3A_218 : vector<256x64xf32>
    %mul3A_222 = arith.constant 0.707106769 : f32
    %mul3A_223 = vector.broadcast %mul3A_222 : f32 to vector<256x64xf32>
    %mul3A_224 = arith.mulf %add3A_218, %mul3A_223 : vector<256x64xf32>
    %erf3A_225 = math.erf %mul3A_224 : vector<256x64xf32>
    %add3A_226 = arith.constant 1.000000e+00 : f32
    %add3A_227 = vector.broadcast %add3A_226 : f32 to vector<256x64xf32>
    %add3A_228 = arith.addf %add3A_227, %erf3A_225 : vector<256x64xf32>
    %mul3A_229 = arith.mulf %mul3A_221, %add3A_228 : vector<256x64xf32>
    %add3A_230 = arith.addf %add3A_195, %mul3A_229 : vector<256x64xf32>
    %get3A_231 = arith.constant 0 : index
    %get3A_232 = arith.constant 1536 : index
    %get3A_233 = arith.constant 0 : index
    %get3A_234 = vector.load %arg2[%get3A_231, %get3A_232, %get3A_233] : memref<1x4096x128xf32, #tpu.memory_space<vmem>>, vector<1x256x64xf32>
    %get3A_235 = vector.shape_cast %get3A_234 : vector<1x256x64xf32> to vector<256x64xf32>
    %dot_general3A_236 = arith.constant dense<0.000000e+00> : vector<256x128xf32>
    %dot_general3A_237 = tpu.matmul %get3A_235, %slice3A, %dot_general3A_236 {dimension_numbers = #tpu.dot_dimension_numbers<[1], [0], [0], [1], [0, 0, 1, 1], [], []>, transpose_lhs_hint = false} : vector<256x64xf32>, vector<64x128xf32>, vector<256x128xf32> -> vector<256x128xf32>
    %add3A_238 = arith.addf %dot_general3A_237, %add3A_23 : vector<256x128xf32>
    %mul3A_239 = arith.constant 5.000000e-01 : f32
    %mul3A_240 = vector.broadcast %mul3A_239 : f32 to vector<256x128xf32>
    %mul3A_241 = arith.mulf %mul3A_240, %add3A_238 : vector<256x128xf32>
    %mul3A_242 = arith.constant 0.707106769 : f32
    %mul3A_243 = vector.broadcast %mul3A_242 : f32 to vector<256x128xf32>
    %mul3A_244 = arith.mulf %add3A_238, %mul3A_243 : vector<256x128xf32>
    %erf3A_245 = math.erf %mul3A_244 : vector<256x128xf32>
    %add3A_246 = arith.constant 1.000000e+00 : f32
    %add3A_247 = vector.broadcast %add3A_246 : f32 to vector<256x128xf32>
    %add3A_248 = arith.addf %add3A_247, %erf3A_245 : vector<256x128xf32>
    %mul3A_249 = arith.mulf %mul3A_241, %add3A_248 : vector<256x128xf32>
    %dot_general3A_250 = arith.constant dense<0.000000e+00> : vector<256x64xf32>
    %dot_general3A_251 = tpu.matmul %mul3A_249, %get3A_17, %dot_general3A_250 {dimension_numbers = #tpu.dot_dimension_numbers<[1], [0], [0], [1], [0, 0, 1, 1], [], []>, transpose_lhs_hint = false} : vector<256x128xf32>, vector<128x64xf32>, vector<256x64xf32> -> vector<256x64xf32>
    %add3A_252 = vector.broadcast %get3A_20 : vector<1x64xf32> to vector<256x64xf32>
    %add3A_253 = arith.addf %dot_general3A_251, %add3A_252 : vector<256x64xf32>
    %mul3A_254 = arith.constant 5.000000e-01 : f32
    %mul3A_255 = vector.broadcast %mul3A_254 : f32 to vector<256x64xf32>
    %mul3A_256 = arith.mulf %mul3A_255, %add3A_253 : vector<256x64xf32>
    %mul3A_257 = arith.constant 0.707106769 : f32
    %mul3A_258 = vector.broadcast %mul3A_257 : f32 to vector<256x64xf32>
    %mul3A_259 = arith.mulf %add3A_253, %mul3A_258 : vector<256x64xf32>
    %erf3A_260 = math.erf %mul3A_259 : vector<256x64xf32>
    %add3A_261 = arith.constant 1.000000e+00 : f32
    %add3A_262 = vector.broadcast %add3A_261 : f32 to vector<256x64xf32>
    %add3A_263 = arith.addf %add3A_262, %erf3A_260 : vector<256x64xf32>
    %mul3A_264 = arith.mulf %mul3A_256, %add3A_263 : vector<256x64xf32>
    %add3A_265 = arith.addf %add3A_230, %mul3A_264 : vector<256x64xf32>
    %get3A_266 = arith.constant 0 : index
    %get3A_267 = arith.constant 1792 : index
    %get3A_268 = arith.constant 0 : index
    %get3A_269 = vector.load %arg2[%get3A_266, %get3A_267, %get3A_268] : memref<1x4096x128xf32, #tpu.memory_space<vmem>>, vector<1x256x64xf32>
    %get3A_270 = vector.shape_cast %get3A_269 : vector<1x256x64xf32> to vector<256x64xf32>
    %dot_general3A_271 = arith.constant dense<0.000000e+00> : vector<256x128xf32>
    %dot_general3A_272 = tpu.matmul %get3A_270, %slice3A, %dot_general3A_271 {dimension_numbers = #tpu.dot_dimension_numbers<[1], [0], [0], [1], [0, 0, 1, 1], [], []>, transpose_lhs_hint = false} : vector<256x64xf32>, vector<64x128xf32>, vector<256x128xf32> -> vector<256x128xf32>
    %add3A_273 = arith.addf %dot_general3A_272, %add3A_23 : vector<256x128xf32>
    %mul3A_274 = arith.constant 5.000000e-01 : f32
    %mul3A_275 = vector.broadcast %mul3A_274 : f32 to vector<256x128xf32>
    %mul3A_276 = arith.mulf %mul3A_275, %add3A_273 : vector<256x128xf32>
    %mul3A_277 = arith.constant 0.707106769 : f32
    %mul3A_278 = vector.broadcast %mul3A_277 : f32 to vector<256x128xf32>
    %mul3A_279 = arith.mulf %add3A_273, %mul3A_278 : vector<256x128xf32>
    %erf3A_280 = math.erf %mul3A_279 : vector<256x128xf32>
    %add3A_281 = arith.constant 1.000000e+00 : f32
    %add3A_282 = vector.broadcast %add3A_281 : f32 to vector<256x128xf32>
    %add3A_283 = arith.addf %add3A_282, %erf3A_280 : vector<256x128xf32>
    %mul3A_284 = arith.mulf %mul3A_276, %add3A_283 : vector<256x128xf32>
    %dot_general3A_285 = arith.constant dense<0.000000e+00> : vector<256x64xf32>
    %dot_general3A_286 = tpu.matmul %mul3A_284, %get3A_17, %dot_general3A_285 {dimension_numbers = #tpu.dot_dimension_numbers<[1], [0], [0], [1], [0, 0, 1, 1], [], []>, transpose_lhs_hint = false} : vector<256x128xf32>, vector<128x64xf32>, vector<256x64xf32> -> vector<256x64xf32>
    %add3A_287 = vector.broadcast %get3A_20 : vector<1x64xf32> to vector<256x64xf32>
    %add3A_288 = arith.addf %dot_general3A_286, %add3A_287 : vector<256x64xf32>
    %mul3A_289 = arith.constant 5.000000e-01 : f32
    %mul3A_290 = vector.broadcast %mul3A_289 : f32 to vector<256x64xf32>
    %mul3A_291 = arith.mulf %mul3A_290, %add3A_288 : vector<256x64xf32>
    %mul3A_292 = arith.constant 0.707106769 : f32
    %mul3A_293 = vector.broadcast %mul3A_292 : f32 to vector<256x64xf32>
    %mul3A_294 = arith.mulf %add3A_288, %mul3A_293 : vector<256x64xf32>
    %erf3A_295 = math.erf %mul3A_294 : vector<256x64xf32>
    %add3A_296 = arith.constant 1.000000e+00 : f32
    %add3A_297 = vector.broadcast %add3A_296 : f32 to vector<256x64xf32>
    %add3A_298 = arith.addf %add3A_297, %erf3A_295 : vector<256x64xf32>
    %mul3A_299 = arith.mulf %mul3A_291, %add3A_298 : vector<256x64xf32>
    %add3A_300 = arith.addf %add3A_265, %mul3A_299 : vector<256x64xf32>
    %get3A_301 = arith.constant 0 : index
    %get3A_302 = arith.constant 2048 : index
    %get3A_303 = arith.constant 0 : index
    %get3A_304 = vector.load %arg2[%get3A_301, %get3A_302, %get3A_303] : memref<1x4096x128xf32, #tpu.memory_space<vmem>>, vector<1x256x64xf32>
    %get3A_305 = vector.shape_cast %get3A_304 : vector<1x256x64xf32> to vector<256x64xf32>
    %dot_general3A_306 = arith.constant dense<0.000000e+00> : vector<256x128xf32>
    %dot_general3A_307 = tpu.matmul %get3A_305, %slice3A, %dot_general3A_306 {dimension_numbers = #tpu.dot_dimension_numbers<[1], [0], [0], [1], [0, 0, 1, 1], [], []>, transpose_lhs_hint = false} : vector<256x64xf32>, vector<64x128xf32>, vector<256x128xf32> -> vector<256x128xf32>
    %add3A_308 = arith.addf %dot_general3A_307, %add3A_23 : vector<256x128xf32>
    %mul3A_309 = arith.constant 5.000000e-01 : f32
    %mul3A_310 = vector.broadcast %mul3A_309 : f32 to vector<256x128xf32>
    %mul3A_311 = arith.mulf %mul3A_310, %add3A_308 : vector<256x128xf32>
    %mul3A_312 = arith.constant 0.707106769 : f32
    %mul3A_313 = vector.broadcast %mul3A_312 : f32 to vector<256x128xf32>
    %mul3A_314 = arith.mulf %add3A_308, %mul3A_313 : vector<256x128xf32>
    %erf3A_315 = math.erf %mul3A_314 : vector<256x128xf32>
    %add3A_316 = arith.constant 1.000000e+00 : f32
    %add3A_317 = vector.broadcast %add3A_316 : f32 to vector<256x128xf32>
    %add3A_318 = arith.addf %add3A_317, %erf3A_315 : vector<256x128xf32>
    %mul3A_319 = arith.mulf %mul3A_311, %add3A_318 : vector<256x128xf32>
    %dot_general3A_320 = arith.constant dense<0.000000e+00> : vector<256x64xf32>
    %dot_general3A_321 = tpu.matmul %mul3A_319, %get3A_17, %dot_general3A_320 {dimension_numbers = #tpu.dot_dimension_numbers<[1], [0], [0], [1], [0, 0, 1, 1], [], []>, transpose_lhs_hint = false} : vector<256x128xf32>, vector<128x64xf32>, vector<256x64xf32> -> vector<256x64xf32>
    %add3A_322 = vector.broadcast %get3A_20 : vector<1x64xf32> to vector<256x64xf32>
    %add3A_323 = arith.addf %dot_general3A_321, %add3A_322 : vector<256x64xf32>
    %mul3A_324 = arith.constant 5.000000e-01 : f32
    %mul3A_325 = vector.broadcast %mul3A_324 : f32 to vector<256x64xf32>
    %mul3A_326 = arith.mulf %mul3A_325, %add3A_323 : vector<256x64xf32>
    %mul3A_327 = arith.constant 0.707106769 : f32
    %mul3A_328 = vector.broadcast %mul3A_327 : f32 to vector<256x64xf32>
    %mul3A_329 = arith.mulf %add3A_323, %mul3A_328 : vector<256x64xf32>
    %erf3A_330 = math.erf %mul3A_329 : vector<256x64xf32>
    %add3A_331 = arith.constant 1.000000e+00 : f32
    %add3A_332 = vector.broadcast %add3A_331 : f32 to vector<256x64xf32>
    %add3A_333 = arith.addf %add3A_332, %erf3A_330 : vector<256x64xf32>
    %mul3A_334 = arith.mulf %mul3A_326, %add3A_333 : vector<256x64xf32>
    %add3A_335 = arith.addf %add3A_300, %mul3A_334 : vector<256x64xf32>
    %get3A_336 = arith.constant 0 : index
    %get3A_337 = arith.constant 2304 : index
    %get3A_338 = arith.constant 0 : index
    %get3A_339 = vector.load %arg2[%get3A_336, %get3A_337, %get3A_338] : memref<1x4096x128xf32, #tpu.memory_space<vmem>>, vector<1x256x64xf32>
    %get3A_340 = vector.shape_cast %get3A_339 : vector<1x256x64xf32> to vector<256x64xf32>
    %dot_general3A_341 = arith.constant dense<0.000000e+00> : vector<256x128xf32>
    %dot_general3A_342 = tpu.matmul %get3A_340, %slice3A, %dot_general3A_341 {dimension_numbers = #tpu.dot_dimension_numbers<[1], [0], [0], [1], [0, 0, 1, 1], [], []>, transpose_lhs_hint = false} : vector<256x64xf32>, vector<64x128xf32>, vector<256x128xf32> -> vector<256x128xf32>
    %add3A_343 = arith.addf %dot_general3A_342, %add3A_23 : vector<256x128xf32>
    %mul3A_344 = arith.constant 5.000000e-01 : f32
    %mul3A_345 = vector.broadcast %mul3A_344 : f32 to vector<256x128xf32>
    %mul3A_346 = arith.mulf %mul3A_345, %add3A_343 : vector<256x128xf32>
    %mul3A_347 = arith.constant 0.707106769 : f32
    %mul3A_348 = vector.broadcast %mul3A_347 : f32 to vector<256x128xf32>
    %mul3A_349 = arith.mulf %add3A_343, %mul3A_348 : vector<256x128xf32>
    %erf3A_350 = math.erf %mul3A_349 : vector<256x128xf32>
    %add3A_351 = arith.constant 1.000000e+00 : f32
    %add3A_352 = vector.broadcast %add3A_351 : f32 to vector<256x128xf32>
    %add3A_353 = arith.addf %add3A_352, %erf3A_350 : vector<256x128xf32>
    %mul3A_354 = arith.mulf %mul3A_346, %add3A_353 : vector<256x128xf32>
    %dot_general3A_355 = arith.constant dense<0.000000e+00> : vector<256x64xf32>
    %dot_general3A_356 = tpu.matmul %mul3A_354, %get3A_17, %dot_general3A_355 {dimension_numbers = #tpu.dot_dimension_numbers<[1], [0], [0], [1], [0, 0, 1, 1], [], []>, transpose_lhs_hint = false} : vector<256x128xf32>, vector<128x64xf32>, vector<256x64xf32> -> vector<256x64xf32>
    %add3A_357 = vector.broadcast %get3A_20 : vector<1x64xf32> to vector<256x64xf32>
    %add3A_358 = arith.addf %dot_general3A_356, %add3A_357 : vector<256x64xf32>
    %mul3A_359 = arith.constant 5.000000e-01 : f32
    %mul3A_360 = vector.broadcast %mul3A_359 : f32 to vector<256x64xf32>
    %mul3A_361 = arith.mulf %mul3A_360, %add3A_358 : vector<256x64xf32>
    %mul3A_362 = arith.constant 0.707106769 : f32
    %mul3A_363 = vector.broadcast %mul3A_362 : f32 to vector<256x64xf32>
    %mul3A_364 = arith.mulf %add3A_358, %mul3A_363 : vector<256x64xf32>
    %erf3A_365 = math.erf %mul3A_364 : vector<256x64xf32>
    %add3A_366 = arith.constant 1.000000e+00 : f32
    %add3A_367 = vector.broadcast %add3A_366 : f32 to vector<256x64xf32>
    %add3A_368 = arith.addf %add3A_367, %erf3A_365 : vector<256x64xf32>
    %mul3A_369 = arith.mulf %mul3A_361, %add3A_368 : vector<256x64xf32>
    %add3A_370 = arith.addf %add3A_335, %mul3A_369 : vector<256x64xf32>
    %get3A_371 = arith.constant 0 : index
    %get3A_372 = arith.constant 2560 : index
    %get3A_373 = arith.constant 0 : index
    %get3A_374 = vector.load %arg2[%get3A_371, %get3A_372, %get3A_373] : memref<1x4096x128xf32, #tpu.memory_space<vmem>>, vector<1x256x64xf32>
    %get3A_375 = vector.shape_cast %get3A_374 : vector<1x256x64xf32> to vector<256x64xf32>
    %dot_general3A_376 = arith.constant dense<0.000000e+00> : vector<256x128xf32>
    %dot_general3A_377 = tpu.matmul %get3A_375, %slice3A, %dot_general3A_376 {dimension_numbers = #tpu.dot_dimension_numbers<[1], [0], [0], [1], [0, 0, 1, 1], [], []>, transpose_lhs_hint = false} : vector<256x64xf32>, vector<64x128xf32>, vector<256x128xf32> -> vector<256x128xf32>
    %add3A_378 = arith.addf %dot_general3A_377, %add3A_23 : vector<256x128xf32>
    %mul3A_379 = arith.constant 5.000000e-01 : f32
    %mul3A_380 = vector.broadcast %mul3A_379 : f32 to vector<256x128xf32>
    %mul3A_381 = arith.mulf %mul3A_380, %add3A_378 : vector<256x128xf32>
    %mul3A_382 = arith.constant 0.707106769 : f32
    %mul3A_383 = vector.broadcast %mul3A_382 : f32 to vector<256x128xf32>
    %mul3A_384 = arith.mulf %add3A_378, %mul3A_383 : vector<256x128xf32>
    %erf3A_385 = math.erf %mul3A_384 : vector<256x128xf32>
    %add3A_386 = arith.constant 1.000000e+00 : f32
    %add3A_387 = vector.broadcast %add3A_386 : f32 to vector<256x128xf32>
    %add3A_388 = arith.addf %add3A_387, %erf3A_385 : vector<256x128xf32>
    %mul3A_389 = arith.mulf %mul3A_381, %add3A_388 : vector<256x128xf32>
    %dot_general3A_390 = arith.constant dense<0.000000e+00> : vector<256x64xf32>
    %dot_general3A_391 = tpu.matmul %mul3A_389, %get3A_17, %dot_general3A_390 {dimension_numbers = #tpu.dot_dimension_numbers<[1], [0], [0], [1], [0, 0, 1, 1], [], []>, transpose_lhs_hint = false} : vector<256x128xf32>, vector<128x64xf32>, vector<256x64xf32> -> vector<256x64xf32>
    %add3A_392 = vector.broadcast %get3A_20 : vector<1x64xf32> to vector<256x64xf32>
    %add3A_393 = arith.addf %dot_general3A_391, %add3A_392 : vector<256x64xf32>
    %mul3A_394 = arith.constant 5.000000e-01 : f32
    %mul3A_395 = vector.broadcast %mul3A_394 : f32 to vector<256x64xf32>
    %mul3A_396 = arith.mulf %mul3A_395, %add3A_393 : vector<256x64xf32>
    %mul3A_397 = arith.constant 0.707106769 : f32
    %mul3A_398 = vector.broadcast %mul3A_397 : f32 to vector<256x64xf32>
    %mul3A_399 = arith.mulf %add3A_393, %mul3A_398 : vector<256x64xf32>
    %erf3A_400 = math.erf %mul3A_399 : vector<256x64xf32>
    %add3A_401 = arith.constant 1.000000e+00 : f32
    %add3A_402 = vector.broadcast %add3A_401 : f32 to vector<256x64xf32>
    %add3A_403 = arith.addf %add3A_402, %erf3A_400 : vector<256x64xf32>
    %mul3A_404 = arith.mulf %mul3A_396, %add3A_403 : vector<256x64xf32>
    %add3A_405 = arith.addf %add3A_370, %mul3A_404 : vector<256x64xf32>
    %get3A_406 = arith.constant 0 : index
    %get3A_407 = arith.constant 2816 : index
    %get3A_408 = arith.constant 0 : index
    %get3A_409 = vector.load %arg2[%get3A_406, %get3A_407, %get3A_408] : memref<1x4096x128xf32, #tpu.memory_space<vmem>>, vector<1x256x64xf32>
    %get3A_410 = vector.shape_cast %get3A_409 : vector<1x256x64xf32> to vector<256x64xf32>
    %dot_general3A_411 = arith.constant dense<0.000000e+00> : vector<256x128xf32>
    %dot_general3A_412 = tpu.matmul %get3A_410, %slice3A, %dot_general3A_411 {dimension_numbers = #tpu.dot_dimension_numbers<[1], [0], [0], [1], [0, 0, 1, 1], [], []>, transpose_lhs_hint = false} : vector<256x64xf32>, vector<64x128xf32>, vector<256x128xf32> -> vector<256x128xf32>
    %add3A_413 = arith.addf %dot_general3A_412, %add3A_23 : vector<256x128xf32>
    %mul3A_414 = arith.constant 5.000000e-01 : f32
    %mul3A_415 = vector.broadcast %mul3A_414 : f32 to vector<256x128xf32>
    %mul3A_416 = arith.mulf %mul3A_415, %add3A_413 : vector<256x128xf32>
    %mul3A_417 = arith.constant 0.707106769 : f32
    %mul3A_418 = vector.broadcast %mul3A_417 : f32 to vector<256x128xf32>
    %mul3A_419 = arith.mulf %add3A_413, %mul3A_418 : vector<256x128xf32>
    %erf3A_420 = math.erf %mul3A_419 : vector<256x128xf32>
    %add3A_421 = arith.constant 1.000000e+00 : f32
    %add3A_422 = vector.broadcast %add3A_421 : f32 to vector<256x128xf32>
    %add3A_423 = arith.addf %add3A_422, %erf3A_420 : vector<256x128xf32>
    %mul3A_424 = arith.mulf %mul3A_416, %add3A_423 : vector<256x128xf32>
    %dot_general3A_425 = arith.constant dense<0.000000e+00> : vector<256x64xf32>
    %dot_general3A_426 = tpu.matmul %mul3A_424, %get3A_17, %dot_general3A_425 {dimension_numbers = #tpu.dot_dimension_numbers<[1], [0], [0], [1], [0, 0, 1, 1], [], []>, transpose_lhs_hint = false} : vector<256x128xf32>, vector<128x64xf32>, vector<256x64xf32> -> vector<256x64xf32>
    %add3A_427 = vector.broadcast %get3A_20 : vector<1x64xf32> to vector<256x64xf32>
    %add3A_428 = arith.addf %dot_general3A_426, %add3A_427 : vector<256x64xf32>
    %mul3A_429 = arith.constant 5.000000e-01 : f32
    %mul3A_430 = vector.broadcast %mul3A_429 : f32 to vector<256x64xf32>
    %mul3A_431 = arith.mulf %mul3A_430, %add3A_428 : vector<256x64xf32>
    %mul3A_432 = arith.constant 0.707106769 : f32
    %mul3A_433 = vector.broadcast %mul3A_432 : f32 to vector<256x64xf32>
    %mul3A_434 = arith.mulf %add3A_428, %mul3A_433 : vector<256x64xf32>
    %erf3A_435 = math.erf %mul3A_434 : vector<256x64xf32>
    %add3A_436 = arith.constant 1.000000e+00 : f32
    %add3A_437 = vector.broadcast %add3A_436 : f32 to vector<256x64xf32>
    %add3A_438 = arith.addf %add3A_437, %erf3A_435 : vector<256x64xf32>
    %mul3A_439 = arith.mulf %mul3A_431, %add3A_438 : vector<256x64xf32>
    %add3A_440 = arith.addf %add3A_405, %mul3A_439 : vector<256x64xf32>
    %get3A_441 = arith.constant 0 : index
    %get3A_442 = arith.constant 3072 : index
    %get3A_443 = arith.constant 0 : index
    %get3A_444 = vector.load %arg2[%get3A_441, %get3A_442, %get3A_443] : memref<1x4096x128xf32, #tpu.memory_space<vmem>>, vector<1x256x64xf32>
    %get3A_445 = vector.shape_cast %get3A_444 : vector<1x256x64xf32> to vector<256x64xf32>
    %dot_general3A_446 = arith.constant dense<0.000000e+00> : vector<256x128xf32>
    %dot_general3A_447 = tpu.matmul %get3A_445, %slice3A, %dot_general3A_446 {dimension_numbers = #tpu.dot_dimension_numbers<[1], [0], [0], [1], [0, 0, 1, 1], [], []>, transpose_lhs_hint = false} : vector<256x64xf32>, vector<64x128xf32>, vector<256x128xf32> -> vector<256x128xf32>
    %add3A_448 = arith.addf %dot_general3A_447, %add3A_23 : vector<256x128xf32>
    %mul3A_449 = arith.constant 5.000000e-01 : f32
    %mul3A_450 = vector.broadcast %mul3A_449 : f32 to vector<256x128xf32>
    %mul3A_451 = arith.mulf %mul3A_450, %add3A_448 : vector<256x128xf32>
    %mul3A_452 = arith.constant 0.707106769 : f32
    %mul3A_453 = vector.broadcast %mul3A_452 : f32 to vector<256x128xf32>
    %mul3A_454 = arith.mulf %add3A_448, %mul3A_453 : vector<256x128xf32>
    %erf3A_455 = math.erf %mul3A_454 : vector<256x128xf32>
    %add3A_456 = arith.constant 1.000000e+00 : f32
    %add3A_457 = vector.broadcast %add3A_456 : f32 to vector<256x128xf32>
    %add3A_458 = arith.addf %add3A_457, %erf3A_455 : vector<256x128xf32>
    %mul3A_459 = arith.mulf %mul3A_451, %add3A_458 : vector<256x128xf32>
    %dot_general3A_460 = arith.constant dense<0.000000e+00> : vector<256x64xf32>
    %dot_general3A_461 = tpu.matmul %mul3A_459, %get3A_17, %dot_general3A_460 {dimension_numbers = #tpu.dot_dimension_numbers<[1], [0], [0], [1], [0, 0, 1, 1], [], []>, transpose_lhs_hint = false} : vector<256x128xf32>, vector<128x64xf32>, vector<256x64xf32> -> vector<256x64xf32>
    %add3A_462 = vector.broadcast %get3A_20 : vector<1x64xf32> to vector<256x64xf32>
    %add3A_463 = arith.addf %dot_general3A_461, %add3A_462 : vector<256x64xf32>
    %mul3A_464 = arith.constant 5.000000e-01 : f32
    %mul3A_465 = vector.broadcast %mul3A_464 : f32 to vector<256x64xf32>
    %mul3A_466 = arith.mulf %mul3A_465, %add3A_463 : vector<256x64xf32>
    %mul3A_467 = arith.constant 0.707106769 : f32
    %mul3A_468 = vector.broadcast %mul3A_467 : f32 to vector<256x64xf32>
    %mul3A_469 = arith.mulf %add3A_463, %mul3A_468 : vector<256x64xf32>
    %erf3A_470 = math.erf %mul3A_469 : vector<256x64xf32>
    %add3A_471 = arith.constant 1.000000e+00 : f32
    %add3A_472 = vector.broadcast %add3A_471 : f32 to vector<256x64xf32>
    %add3A_473 = arith.addf %add3A_472, %erf3A_470 : vector<256x64xf32>
    %mul3A_474 = arith.mulf %mul3A_466, %add3A_473 : vector<256x64xf32>
    %add3A_475 = arith.addf %add3A_440, %mul3A_474 : vector<256x64xf32>
    %get3A_476 = arith.constant 0 : index
    %get3A_477 = arith.constant 3328 : index
    %get3A_478 = arith.constant 0 : index
    %get3A_479 = vector.load %arg2[%get3A_476, %get3A_477, %get3A_478] : memref<1x4096x128xf32, #tpu.memory_space<vmem>>, vector<1x256x64xf32>
    %get3A_480 = vector.shape_cast %get3A_479 : vector<1x256x64xf32> to vector<256x64xf32>
    %dot_general3A_481 = arith.constant dense<0.000000e+00> : vector<256x128xf32>
    %dot_general3A_482 = tpu.matmul %get3A_480, %slice3A, %dot_general3A_481 {dimension_numbers = #tpu.dot_dimension_numbers<[1], [0], [0], [1], [0, 0, 1, 1], [], []>, transpose_lhs_hint = false} : vector<256x64xf32>, vector<64x128xf32>, vector<256x128xf32> -> vector<256x128xf32>
    %add3A_483 = arith.addf %dot_general3A_482, %add3A_23 : vector<256x128xf32>
    %mul3A_484 = arith.constant 5.000000e-01 : f32
    %mul3A_485 = vector.broadcast %mul3A_484 : f32 to vector<256x128xf32>
    %mul3A_486 = arith.mulf %mul3A_485, %add3A_483 : vector<256x128xf32>
    %mul3A_487 = arith.constant 0.707106769 : f32
    %mul3A_488 = vector.broadcast %mul3A_487 : f32 to vector<256x128xf32>
    %mul3A_489 = arith.mulf %add3A_483, %mul3A_488 : vector<256x128xf32>
    %erf3A_490 = math.erf %mul3A_489 : vector<256x128xf32>
    %add3A_491 = arith.constant 1.000000e+00 : f32
    %add3A_492 = vector.broadcast %add3A_491 : f32 to vector<256x128xf32>
    %add3A_493 = arith.addf %add3A_492, %erf3A_490 : vector<256x128xf32>
    %mul3A_494 = arith.mulf %mul3A_486, %add3A_493 : vector<256x128xf32>
    %dot_general3A_495 = arith.constant dense<0.000000e+00> : vector<256x64xf32>
    %dot_general3A_496 = tpu.matmul %mul3A_494, %get3A_17, %dot_general3A_495 {dimension_numbers = #tpu.dot_dimension_numbers<[1], [0], [0], [1], [0, 0, 1, 1], [], []>, transpose_lhs_hint = false} : vector<256x128xf32>, vector<128x64xf32>, vector<256x64xf32> -> vector<256x64xf32>
    %add3A_497 = vector.broadcast %get3A_20 : vector<1x64xf32> to vector<256x64xf32>
    %add3A_498 = arith.addf %dot_general3A_496, %add3A_497 : vector<256x64xf32>
    %mul3A_499 = arith.constant 5.000000e-01 : f32
    %mul3A_500 = vector.broadcast %mul3A_499 : f32 to vector<256x64xf32>
    %mul3A_501 = arith.mulf %mul3A_500, %add3A_498 : vector<256x64xf32>
    %mul3A_502 = arith.constant 0.707106769 : f32
    %mul3A_503 = vector.broadcast %mul3A_502 : f32 to vector<256x64xf32>
    %mul3A_504 = arith.mulf %add3A_498, %mul3A_503 : vector<256x64xf32>
    %erf3A_505 = math.erf %mul3A_504 : vector<256x64xf32>
    %add3A_506 = arith.constant 1.000000e+00 : f32
    %add3A_507 = vector.broadcast %add3A_506 : f32 to vector<256x64xf32>
    %add3A_508 = arith.addf %add3A_507, %erf3A_505 : vector<256x64xf32>
    %mul3A_509 = arith.mulf %mul3A_501, %add3A_508 : vector<256x64xf32>
    %add3A_510 = arith.addf %add3A_475, %mul3A_509 : vector<256x64xf32>
    %get3A_511 = arith.constant 0 : index
    %get3A_512 = arith.constant 3584 : index
    %get3A_513 = arith.constant 0 : index
    %get3A_514 = vector.load %arg2[%get3A_511, %get3A_512, %get3A_513] : memref<1x4096x128xf32, #tpu.memory_space<vmem>>, vector<1x256x64xf32>
    %get3A_515 = vector.shape_cast %get3A_514 : vector<1x256x64xf32> to vector<256x64xf32>
    %dot_general3A_516 = arith.constant dense<0.000000e+00> : vector<256x128xf32>
    %dot_general3A_517 = tpu.matmul %get3A_515, %slice3A, %dot_general3A_516 {dimension_numbers = #tpu.dot_dimension_numbers<[1], [0], [0], [1], [0, 0, 1, 1], [], []>, transpose_lhs_hint = false} : vector<256x64xf32>, vector<64x128xf32>, vector<256x128xf32> -> vector<256x128xf32>
    %add3A_518 = arith.addf %dot_general3A_517, %add3A_23 : vector<256x128xf32>
    %mul3A_519 = arith.constant 5.000000e-01 : f32
    %mul3A_520 = vector.broadcast %mul3A_519 : f32 to vector<256x128xf32>
    %mul3A_521 = arith.mulf %mul3A_520, %add3A_518 : vector<256x128xf32>
    %mul3A_522 = arith.constant 0.707106769 : f32
    %mul3A_523 = vector.broadcast %mul3A_522 : f32 to vector<256x128xf32>
    %mul3A_524 = arith.mulf %add3A_518, %mul3A_523 : vector<256x128xf32>
    %erf3A_525 = math.erf %mul3A_524 : vector<256x128xf32>
    %add3A_526 = arith.constant 1.000000e+00 : f32
    %add3A_527 = vector.broadcast %add3A_526 : f32 to vector<256x128xf32>
    %add3A_528 = arith.addf %add3A_527, %erf3A_525 : vector<256x128xf32>
    %mul3A_529 = arith.mulf %mul3A_521, %add3A_528 : vector<256x128xf32>
    %dot_general3A_530 = arith.constant dense<0.000000e+00> : vector<256x64xf32>
    %dot_general3A_531 = tpu.matmul %mul3A_529, %get3A_17, %dot_general3A_530 {dimension_numbers = #tpu.dot_dimension_numbers<[1], [0], [0], [1], [0, 0, 1, 1], [], []>, transpose_lhs_hint = false} : vector<256x128xf32>, vector<128x64xf32>, vector<256x64xf32> -> vector<256x64xf32>
    %add3A_532 = vector.broadcast %get3A_20 : vector<1x64xf32> to vector<256x64xf32>
    %add3A_533 = arith.addf %dot_general3A_531, %add3A_532 : vector<256x64xf32>
    %mul3A_534 = arith.constant 5.000000e-01 : f32
    %mul3A_535 = vector.broadcast %mul3A_534 : f32 to vector<256x64xf32>
    %mul3A_536 = arith.mulf %mul3A_535, %add3A_533 : vector<256x64xf32>
    %mul3A_537 = arith.constant 0.707106769 : f32
    %mul3A_538 = vector.broadcast %mul3A_537 : f32 to vector<256x64xf32>
    %mul3A_539 = arith.mulf %add3A_533, %mul3A_538 : vector<256x64xf32>
    %erf3A_540 = math.erf %mul3A_539 : vector<256x64xf32>
    %add3A_541 = arith.constant 1.000000e+00 : f32
    %add3A_542 = vector.broadcast %add3A_541 : f32 to vector<256x64xf32>
    %add3A_543 = arith.addf %add3A_542, %erf3A_540 : vector<256x64xf32>
    %mul3A_544 = arith.mulf %mul3A_536, %add3A_543 : vector<256x64xf32>
    %add3A_545 = arith.addf %add3A_510, %mul3A_544 : vector<256x64xf32>
    %get3A_546 = arith.constant 0 : index
    %get3A_547 = arith.constant 3840 : index
    %get3A_548 = arith.constant 0 : index
    %get3A_549 = vector.load %arg2[%get3A_546, %get3A_547, %get3A_548] : memref<1x4096x128xf32, #tpu.memory_space<vmem>>, vector<1x256x64xf32>
    %get3A_550 = vector.shape_cast %get3A_549 : vector<1x256x64xf32> to vector<256x64xf32>
    %dot_general3A_551 = arith.constant dense<0.000000e+00> : vector<256x128xf32>
    %dot_general3A_552 = tpu.matmul %get3A_550, %slice3A, %dot_general3A_551 {dimension_numbers = #tpu.dot_dimension_numbers<[1], [0], [0], [1], [0, 0, 1, 1], [], []>, transpose_lhs_hint = false} : vector<256x64xf32>, vector<64x128xf32>, vector<256x128xf32> -> vector<256x128xf32>
    %add3A_553 = arith.addf %dot_general3A_552, %add3A_23 : vector<256x128xf32>
    %mul3A_554 = arith.constant 5.000000e-01 : f32
    %mul3A_555 = vector.broadcast %mul3A_554 : f32 to vector<256x128xf32>
    %mul3A_556 = arith.mulf %mul3A_555, %add3A_553 : vector<256x128xf32>
    %mul3A_557 = arith.constant 0.707106769 : f32
    %mul3A_558 = vector.broadcast %mul3A_557 : f32 to vector<256x128xf32>
    %mul3A_559 = arith.mulf %add3A_553, %mul3A_558 : vector<256x128xf32>
    %erf3A_560 = math.erf %mul3A_559 : vector<256x128xf32>
    %add3A_561 = arith.constant 1.000000e+00 : f32
    %add3A_562 = vector.broadcast %add3A_561 : f32 to vector<256x128xf32>
    %add3A_563 = arith.addf %add3A_562, %erf3A_560 : vector<256x128xf32>
    %mul3A_564 = arith.mulf %mul3A_556, %add3A_563 : vector<256x128xf32>
    %dot_general3A_565 = arith.constant dense<0.000000e+00> : vector<256x64xf32>
    %dot_general3A_566 = tpu.matmul %mul3A_564, %get3A_17, %dot_general3A_565 {dimension_numbers = #tpu.dot_dimension_numbers<[1], [0], [0], [1], [0, 0, 1, 1], [], []>, transpose_lhs_hint = false} : vector<256x128xf32>, vector<128x64xf32>, vector<256x64xf32> -> vector<256x64xf32>
    %add3A_567 = vector.broadcast %get3A_20 : vector<1x64xf32> to vector<256x64xf32>
    %add3A_568 = arith.addf %dot_general3A_566, %add3A_567 : vector<256x64xf32>
    %mul3A_569 = arith.constant 5.000000e-01 : f32
    %mul3A_570 = vector.broadcast %mul3A_569 : f32 to vector<256x64xf32>
    %mul3A_571 = arith.mulf %mul3A_570, %add3A_568 : vector<256x64xf32>
    %mul3A_572 = arith.constant 0.707106769 : f32
    %mul3A_573 = vector.broadcast %mul3A_572 : f32 to vector<256x64xf32>
    %mul3A_574 = arith.mulf %add3A_568, %mul3A_573 : vector<256x64xf32>
    %erf3A_575 = math.erf %mul3A_574 : vector<256x64xf32>
    %add3A_576 = arith.constant 1.000000e+00 : f32
    %add3A_577 = vector.broadcast %add3A_576 : f32 to vector<256x64xf32>
    %add3A_578 = arith.addf %add3A_577, %erf3A_575 : vector<256x64xf32>
    %mul3A_579 = arith.mulf %mul3A_571, %add3A_578 : vector<256x64xf32>
    %add3A_580 = arith.addf %add3A_545, %mul3A_579 : vector<256x64xf32>
    %mul3A_581 = arith.constant 6.250000e-02 : f32
    %mul3A_582 = vector.broadcast %mul3A_581 : f32 to vector<256x64xf32>
    %mul3A_583 = arith.mulf %add3A_580, %mul3A_582 : vector<256x64xf32>
    %mul3A_584 = vector.broadcast %get3A_8 : vector<256x1xf32> to vector<256x64xf32>
    %mul3A_585 = arith.mulf %mul3A_583, %mul3A_584 : vector<256x64xf32>
    %swap3A = arith.constant 0 : index
    %swap3A_586 = arith.constant 0 : index
    %swap3A_587 = arith.constant 0 : index
    %swap3A_588 = vector.load %arg8[%swap3A, %swap3A_586, %swap3A_587] : memref<1x256x64xf32, #tpu.memory_space<vmem>>, vector<1x256x64xf32>
    %swap3A_589 = vector.shape_cast %swap3A_588 : vector<1x256x64xf32> to vector<256x64xf32>
    %swap3A_590 = vector.shape_cast %mul3A_585 : vector<256x64xf32> to vector<1x256x64xf32>
    tpu.vector_store %arg8[%swap3A, %swap3A_586, %swap3A_587], %swap3A_590 {strides = array<i32>} : memref<1x256x64xf32, #tpu.memory_space<vmem>>, vector<1x256x64xf32>,
    return
  }
  func.func @transform_0(%arg0: i32) -> (i32, i32, i32) {
    %c0_i32 = arith.constant 0 : i32
    %c0_i32_0 = arith.constant 0 : i32
    %c0_i32_1 = arith.constant 0 : i32
    return %arg0, %c0_i32, %c0_i32_0 : i32, i32, i32
  }
  func.func @transform_1(%arg0: i32) -> (i32, i32, i32) {
    %c0_i32 = arith.constant 0 : i32
    %c0_i32_0 = arith.constant 0 : i32
    %c0_i32_1 = arith.constant 0 : i32
    return %arg0, %c0_i32, %c0_i32_0 : i32, i32, i32
  }
  func.func @transform_2(%arg0: i32) -> (i32, i32, i32) {
    %c0_i32 = arith.constant 0 : i32
    %c0_i32_0 = arith.constant 0 : i32
    %c0_i32_1 = arith.constant 0 : i32
    return %arg0, %c0_i32, %c0_i32_0 : i32, i32, i32
  }
  func.func @transform_3(%arg0: i32) -> (i32, i32) {
    %c0_i32 = arith.constant 0 : i32
    %c0_i32_0 = arith.constant 0 : i32
    %c0_i32_1 = arith.constant 0 : i32
    return %c0_i32, %c0_i32_0 : i32, i32
  }
  func.func @transform_4(%arg0: i32) -> (i32, i32) {
    %c0_i32 = arith.constant 0 : i32
    %c0_i32_0 = arith.constant 0 : i32
    %c0_i32_1 = arith.constant 0 : i32
    return %c0_i32, %c0_i32_0 : i32, i32
  }
  func.func @transform_5(%arg0: i32) -> (i32, i32) {
    %c0_i32 = arith.constant 0 : i32
    %c0_i32_0 = arith.constant 0 : i32
    %c0_i32_1 = arith.constant 0 : i32
    return %c0_i32, %c0_i32_0 : i32, i32
  }
  func.func @transform_6(%arg0: i32) -> (i32, i32) {
    %c0_i32 = arith.constant 0 : i32
    %c0_i32_0 = arith.constant 0 : i32
    %c0_i32_1 = arith.constant 0 : i32
    return %c0_i32, %c0_i32_0 : i32, i32
  }
  func.func @transform_7(%arg0: i32) -> (i32, i32, i32) {
    %c0_i32 = arith.constant 0 : i32
    %c0_i32_0 = arith.constant 0 : i32
    %c0_i32_1 = arith.constant 0 : i32
    return %arg0, %c0_i32, %c0_i32_0 : i32, i32, i32
  }
}

</mosaic_0001>

<sc_bundles>
// kernel: kernel.10.cloned.1.call-start
scs
__scs_entry_jumppad:
0x0: {  	(pc) =	sbr.rel $0x88, $3  }
0x1: {  	(tag) =	ssettag $0x0;
	lr =	simm.s32 $0x1  }
0x2: {  	[smem:$0x3F96] =	sst lr;
	_ =	strace $0xD0000000  }
0x3: {  	_ = 	snop  }
0x4: {  	_ = 	snop  }
0x5: {  	_ = 	snop  }
0x6: {  	_ = 	snop  }
0x7: {  	_ = 	snop  }
__scs_overlays_trampoline_lowered:
0x8: {  	[smem:$0x3FA5] =	sst s0  }
0x9: {  	[smem:$0x3FA6] =	sst s1  }
0xa: {  	[smem:$0x3FA7] =	sst s2  }
0xb: {  	[smem:$0x3FA8] =	sst s3  }
0xc: {  	[smem:$0x3FA9] =	sst s4  }
0xd: {  	[smem:$0x3FAA] =	sst s5  }
0xe: {  	[smem:$0x3FAB] =	sst s6  }
0xf: {  	[smem:$0x3FAC] =	sst s7  }
0x10: {  	[smem:$0x3FAD] =	sst s8  }
0x11: {  	[smem:$0x3FAE] =	sst s9;
	s0 =	simm.s32 @!p0 $0x0  }
0x12: {  	s1 =	sld [smem:$0x3F94];
	s0 =	simm.s32 @p0 $0x1  }
0x13: {  	[smem:$0x3FAF] =	sst s0;
	s0 =	simm.s32 @!p1 $0x0  }
0x14: {  	s2 =	sld [smem:$0x3F93];
	s0 =	simm.s32 @p1 $0x1  }
0x15: {  	[smem:$0x3FB0] =	sst s0;
	s0 =	simm.s32 @!p2 $0x0  }
0x16: {  	s3 =	sld [smem:$0x3FDB];
	s0 =	simm.s32 @p2 $0x1  }
0x17: {  	s4 =	simm.s32 $0x1BF5;
	[smem:$0x3FB2] =	sst s0  }
0x18: {  	s0 =	sld [smem:$0x3F95];
	_ =	swait.ge [sflag:s4], $0x0  }
0x19: {  	s7 =	sld [smem:$0x3F96]  }
0x1a: {  	s8 =	sadd.s32 $0xFFFFE003, lr  }
0x1b: {  	s9 =	sadd.s32 $0xFFFFFEF7, lr;
	s5 =	simm.s32 $0xFFFFFFFF;
	p2 =	slt.u32 s8, $0xFFFFF086  }
0x1c: {  	p1 =	slt.u32 s9, $0xF7A;
	s5 =	simm.s32 @!p2 $0x0  }
0x1d: {  	s5 =	simm.s32 @p1 $0x1;
	p0 =	seq.s32 s7, s2  }
0x1e: {  	s7 =	smul.u32 @!p0 $0xF7A, s2;
	p2 =	seq.s32 @!p0 s5, $0x0  }
0x1f: {  	s9 =	smul.u32 $0xF7A, s1;
	s8 =	simm.s32 @!p0 $0x1BF5;
	p2 =	por !p2, p0  }
0x20: {  	[sflag:s8] =	ssyncset.s32 @!p0 $0xFFFFF086;
	s6 =	sadd.s32 @!p0 s3, s7;
	s7 =	simm.s32 @!p0 $0x108  }
0x21: {  	s3 =	sadd.s32 s3, s9;
	s6 =	sadd.s32 @!p0 $0x88, s6;
	s7 =	simm.s32 @p2 $0x1082  }
0x22: {  	[simem:s7], [sflag:s8] =	dma.local @!p0 [hbm:s6], $0xF7A  }
0x23: {  	s9 =	sor.u32 $0xD0000000, s2;
	s6 =	simm.s32 $0x108;
	_ =	swait.ge @!p0 [sflag:s8], $0x0  }
0x24: {  	s3 =	sadd.s32 $0x88, s3;
	s6 =	simm.s32 @!p1 $0x1082;
	[sflag:s4] =	ssyncset.s32 $0xFFFFF086  }
0x25: {  	[simem:s6], [sflag:s4] =	dma.local [hbm:s3], $0xF7A  }
0x26: {  	[smem:$0x3F96] =	sst s1;
	(tag) =	ssettag s2;
	_ =	strace s9  }
0x27: {  	s1 =	sld [smem:$0x3FA6]  }
0x28: {  	s2 =	sld [smem:$0x3FA7]  }
0x29: {  	s4 =	sld [smem:$0x3FA9]  }
0x2a: {  	p0 =	seq.s32 s5, $0x0;
	s5 =	sld [smem:$0x3FAA]  }
0x2b: {  	s6 =	sld [smem:$0x3FAB]  }
0x2c: {  	s7 =	sld [smem:$0x3FAC]  }
0x2d: {  	s3 =	simm.s32 $0x108;
	s8 =	sld [smem:$0x3FAD]  }
0x2e: {  	s3 =	simm.s32 @!p0 $0x1082;
	s9 =	sld [smem:$0x3FAE]  }
0x2f: {  	lr =	sadd.s32 s0, s3;
	s0 =	sld [smem:$0x3FA5]  }
0x30: {  	s3 =	sld [smem:$0x3FA8]  }
0x31: {  	[smem:$0x3FB1] =	sst s10  }
0x32: {  	s10 =	sld [smem:$0x3FAF];
	_ =	sdelay $0x3  }
0x33: {  	p0 =	seq.s32 s10, $0x1;
	s10 =	sld [smem:$0x3FB1];
	_ =	sdelay $0x3  }
0x34: {  	[smem:$0x3FB1] =	sst s10  }
0x35: {  	s10 =	sld [smem:$0x3FB0];
	_ =	sdelay $0x3  }
0x36: {  	p1 =	seq.s32 s10, $0x1;
	s10 =	sld [smem:$0x3FB1];
	_ =	sdelay $0x3  }
0x37: {  	[smem:$0x3FB1] =	sst s10  }
0x38: {  	s10 =	sld [smem:$0x3FB2]  }
0x39: {  	_ = 	snop;
	(pc) =	sbr.ind lr, $3  }
0x3a: {  	_ = 	snop  }
0x3b: {  	_ = 	snop  }
0x3c: {  	p2 =	seq.s32 s10, $0x1;
	s10 =	sld [smem:$0x3FB1]  }
0x3d: {  	_ =	shalt  }
0x3e: {  	_ =	shalt  }
0x3f: {  	_ =	shalt  }
0x40: {  	_ =	shalt  }
0x41: {  	_ =	shalt  }
0x42: {  	_ =	shalt  }
0x43: {  	_ =	shalt  }
0x44: {  	_ =	shalt  }
0x45: {  	_ =	shalt  }
0x46: {  	_ =	shalt  }
0x47: {  	_ =	shalt  }
0x48: {  	_ =	shalt  }
0x49: {  	_ =	shalt  }
0x4a: {  	_ =	shalt  }
0x4b: {  	_ =	shalt  }
0x4c: {  	_ =	shalt  }
0x4d: {  	_ =	shalt  }
0x4e: {  	_ =	shalt  }
0x4f: {  	_ =	shalt  }
0x50: {  	_ =	shalt  }
0x51: {  	_ =	shalt  }
0x52: {  	_ =	shalt  }
0x53: {  	_ =	shalt  }
0x54: {  	_ =	shalt  }
0x55: {  	_ =	shalt  }
0x56: {  	_ =	shalt  }
0x57: {  	_ =	shalt  }
0x58: {  	_ =	shalt  }
0x59: {  	_ =	shalt  }
0x5a: {  	_ =	shalt  }
0x5b: {  	_ =	shalt  }
0x5c: {  	_ =	shalt  }
0x5d: {  	_ =	shalt  }
0x5e: {  	_ =	shalt  }
0x5f: {  	_ =	shalt  }
0x60: {  	_ =	shalt  }
0x61: {  	_ =	shalt  }
0x62: {  	_ =	shalt  }
0x63: {  	_ =	shalt  }
0x64: {  	_ =	shalt  }
0x65: {  	_ =	shalt  }
0x66: {  	_ =	shalt  }
0x67: {  	_ =	shalt  }
0x68: {  	_ =	shalt  }
0x69: {  	_ =	shalt  }
0x6a: {  	_ =	shalt  }
0x6b: {  	_ =	shalt  }
0x6c: {  	_ =	shalt  }
0x6d: {  	_ =	shalt  }
0x6e: {  	_ =	shalt  }
0x6f: {  	_ =	shalt  }
0x70: {  	_ =	shalt  }
0x71: {  	_ =	shalt  }
0x72: {  	_ =	shalt  }
0x73: {  	_ =	shalt  }
0x74: {  	_ =	shalt  }
0x75: {  	_ =	shalt  }
0x76: {  	_ =	shalt  }
0x77: {  	_ =	shalt  }
0x78: {  	_ =	shalt  }
0x79: {  	_ =	shalt  }
0x7a: {  	_ =	shalt  }
0x7b: {  	_ =	shalt  }
0x7c: {  	_ =	shalt  }
0x7d: {  	_ =	shalt  }
0x7e: {  	_ =	shalt  }
0x7f: {  	_ =	shalt  }
0x80: {  	_ =	shalt  }
0x81: {  	_ =	shalt  }
0x82: {  	_ =	shalt  }
0x83: {  	_ =	shalt  }
0x84: {  	_ =	shalt  }
0x85: {  	_ =	shalt  }
0x86: {  	_ =	shalt  }
0x87: {  	_ =	shalt  }
.Lfunc_end0:
.L_simem_size_0:
called_computation.1_lowered:
.L_overlay_start_0:
0x88: {  	s2 =	sld [smem:$0x3FD9]  }
0x89: {  	s3 =	sld [smem:$0x3FFE];
	_ =	sdelay $0x1  }
0x8a: {  	s1 =	srdreg.scid  }
0x8b: {  	s0 =	sand.u32 $0x1, s1  }
0x8c: {  	s17 =	sshll.u32 s0, $0xA;
	s2 =	sadd.s32 s3, s2  }
0x8d: {  	s2 =	sadd.s32 s2, s17  }
0x8e: {  	[smem:$0x3FBD] =	sst s2  }
0x8f: {  	_ = 	snop  }
0x90: {  	s2 =	sld [smem:$0x3FD0];
	(tm) =	ssettm $0x1  }
0x91: {  	s18 =	sld [smem:$0x3FFB];
	_ =	sdelay $0x3  }
0x92: {  	_ =	strace s18  }
0x93: {  	s3 =	sld [smem:$0x3FFC];
	_ =	sdelay $0x3  }
0x94: {  	_ =	strace s3  }
0x95: {  	s3 =	sld [smem:$0x3FFD];
	_ =	sdelay $0x3  }
0x96: {  	_ =	strace s3  }
0x97: {  	_ =	strace $0x8FFFFFFF  }
0x98: {  	s19 =	sld [smem:$0x3FDB];
	_ =	sdelay $0x1  }
0x99: {  	s4 =	simm.s32 $_scs_section_size  }
0x9a: {  	s5 =	simm.s32 $_size__tile_overlayer_lowered;
	s6 =	simm.s32 $_tile_overlayer_lowered  }
0x9b: {  	s22 =	simm.s32 $0x1BFF;
	s21 =	sshll.u32 s6, $0x1;
	s3 =	sadd.s32 s4, s19  }
0x9c: {  	s7 =	simm.s32 $0x0;
	s20 =	sshll.u32 s5, $0x1;
	s5 =	sadd.s32 s21, s3  }
0x9d: {  	[timem:s7], [sflag:s22] =	dma.local [hbm:s5], s20  }
0x9e: {  	_ =	swait.ge [sflag:s22], s20  }
0x9f: {  	s4 =	ssub.s32 $0x0, s20;
	[sflag:s22] =	ssyncset.done $0x0  }
0xa0: {  	[sflag:s22] =	ssyncadd.s32 s4;
	_ =	sdelay $0x1  }
0xa1: {  	s23 =	simm.s32 $0x1B8B  }
0xa2: {  	_ =	swait.ge [sflag:s23], $0x1  }
0xa3: {  	[sflag:s23] =	ssyncset.done $0x0  }
0xa4: {  	s25 =	simm.s32 $0x1B8E;
	s24 =	sld [smem:$0x3FFE];
	[sflag:s23] =	ssyncadd.s32 $0xFFFFFFFF  }
0xa5: {  	s26 =	simm.s32 $execute0_lowered;
	[smem:$0x3FD2] =	sst s25  }
0xa6: {  	s5 =	sshll.u32 s26, $0x1;
	_ =	strace $0x80000049;
	[dreg:$0x1] =	wrdreg $0xFFFFFFFF  }
0xa7: {  	s28 =	simm.s32 $_size_execute0_lowered;
	s3 =	sadd.s32 s3, s5;
	[dreg:$0x0] =	wrdreg $0x0  }
0xa8: {  	s5 =	sshll.u32 s28, $0x1;
	[dreg:$0x2] =	wrdreg s3  }
0xa9: {  	[dreg:$0x3] =	wrdreg s5  }
0xaa: {  	[dreg:$0x4] =	wrdreg $0xC0  }
0xab: {  	_ =	task [dreg:s7], $0x5FFFF  }
0xac: {  	[dreg:$0x1] =	wrdreg $0xFFFFFFFF  }
0xad: {  	[dreg:$0x0] =	wrdreg $0x60  }
0xae: {  	[dreg:$0x2] =	wrdreg s24  }
0xaf: {  	[dreg:$0x3] =	wrdreg s2  }
0xb0: {  	[dreg:$0x4] =	wrdreg $0x9  }
0xb1: {  	_ =	task.clear_ibuf [dreg:s7], $0x5FFFF;
	_ =	strace $0x90000049  }
0xb2: {  	s29 =	simm.s32 $0x9;
	_ =	strace $0x8000004B  }
0xb3: {  	_ =	swait.ge [sflag:s29], $0x1  }
0xb4: {  	[sflag:s29] =	ssyncadd.s32 $0xFFFFFFFF  }
0xb5: {  	_ =	strace $0x9000004B  }
0xb6: {  	_ =	sfence  }
0xb7: {  	s30 =	sld [smem:$0x0];
	_ =	sdelay $0x2  }
0xb8: {  	s31 =	sshll.u32 s1, $0xD;
	s1 =	sshrl.u32 s1, $0x2  }
0xb9: {  	s3 =	sand.u32 $0x4000, s31;
	s1 =	sadd.s32 s1, s30  }
0xba: {  	s0 =	sor.u32 s3, s0;
	s1 =	sshll.u32 s1, $0x11  }
0xbb: {  	s0 =	sor.u32 s1, s0  }
0xbc: {  	s0 =	sadd.s32 $0x8F2B, s0  }
0xbd: {  	[sflag:s0] =	ssyncadd.remote.s32 $0x1  }
0xbe: {  	_ =	sfence.sel $0xFFFF  }
0xbf: {  	[dreg:$0x0] =	wrdreg $0xFFFFFFFF;
	(pc) =	sbr.abs _section_cstart, $3  }
0xc0: {  	[dreg:$0x1] =	wrdreg $0xFFFFFFFF  }
0xc1: {  	_ =	task.clear_ibuf [dreg:s7], $0x2FFFF;
	_ =	strace $0x9FFFFFFF  }
0xc2: {  	(tm) =	ssettm $0x7FFFFFFF  }
0xc3: {  	_ =	shalt  }
tec
execute0_lowered:
.L_overlay_start_1:
0x0: {  	(tag) =	ssettag $0x1  }
0x1: {  	s4 =	rddreg [dreg:$0x0]  }
0x2: {  	s6 =	rddreg [dreg:$0x1]  }
0x3: {  	s0 =	rddreg [dreg:$0x2];
	s2 =	simm.s32 $0x0;
	s1 =	stileid.u32  }
0x4: {  	s3 =	srdreg.scid;
	[smem:$0x7FF] =	sst s2  }
0x5: {  	s5 =	sshll.u32 s1, $0x12;
	s7 =	sand.u32 $0x1, s3;
	s3 =	sadd.s32 $0x82800, s4  }
0x6: {  	s9 =	sshll.u32 s1, $0xE;
	_ =	strace $0x8000004A;
	s5 =	sadd.s32 s5, s4  }
0x7: {  	s29 =	ssub.s32 $0x2, s7;
	s10 =	sshll.u32 s7, $0xD;
	s7 =	sshll.u32 s7, $0x11  }
0x8: {  	s8 =	sshrl.u32 s29, $0x1;
	s30 =	sor.u32 s10, s9;
	s5 =	sadd.s32 s7, s5  }
0x9: {  	s7 =	simm.s32 $0x2;
	s9 =	simm.s32 $0x1;
	s10 =	simm.s32 $0x0  }
0xa: {  	s4 =	ssub.s32 s29, s8;
	s31 =	sshrl.u32 s30, $0x3;
	s5 =	sadd.s32 $0xC2800, s5  }
0xb: {  	s8 =	simm.s32 $0x80;
	s4 =	smax.u32 s4, $0x1;
	s6 =	sadd.s32 s31, s6  }
.LBB2_1:
0xc: {  	s11 =	sadd.s32 $0x0, s6  }
0xd: {  	[tilespmem:s2], [sflag:$0x2] =	stream.linear.gather [hbm4b:s11+s2], $0x80, $0x38;
	[tilespmem:$0x4080] =	vst v63  }
0xe: {  	_ =	swait.ge [sflag:s7], $0x80  }
0xf: {  	[sflag:s7] =	ssyncset.done $0x0  }
0x10: {  	[sflag:s7] =	ssyncadd.s32 $0xFFFFFF80  }
0x11: {  	[tilespmem:s8], [sflag:$0x1] =	stream.indirect.gather [hbm4b:s3+s8], $0x80, s2, s8, $0xb8;
	[tilespmem:$0x4080] =	vst v63  }
0x12: {  	_ =	swait.ge [sflag:s9], $0x4000  }
0x13: {  	[sflag:s9] =	ssyncset.done $0x0  }
0x14: {  	[sflag:s9] =	ssyncadd.s32 $0xFFFFC000  }
0x15: {  	[hbm4b:s5+s2] =	stream.linear.scatter [tilespmem:s8], [sflag:$0x2], $0x4000, $0x38;
	[tilespmem:$0x4080] =	vst v63  }
0x16: {  	s12 =	simm.s32 $0x10;
	_ =	swait.ge [sflag:s7], $0x4000  }
0x17: {  	s13 =	simm.s32 $0x20;
	s11 =	sadd.s32 $0x800, s5;
	[sflag:s7] =	ssyncset.done $0x0  }
.LBB2_2:
0x18: {  	s14 =	sadd.s32 s12, s6  }
0x19: {  	[sflag:s7] =	ssyncadd.s32 $0xFFFFC000;
	s12 =	smov.u32 s13;
	s15 =	sadd.s32 $0x10, s13  }
0x1a: {  	[tilespmem:s2], [sflag:$0x2] =	stream.linear.gather [hbm4b:s14+s2], $0x80, $0x38;
	[tilespmem:$0x4080] =	vst v63  }
0x1b: {  	p0 =	sne.s32 s13, $0x3F0;
	_ =	swait.ge [sflag:s7], $0x80  }
0x1c: {  	[sflag:s7] =	ssyncset.done $0x0  }
0x1d: {  	[sflag:s7] =	ssyncadd.s32 $0xFFFFFF80  }
0x1e: {  	[tilespmem:s8], [sflag:$0x1] =	stream.indirect.gather [hbm4b:s3+s8], $0x80, s2, s8, $0xb8;
	[tilespmem:$0x4080] =	vst v63  }
0x1f: {  	_ =	swait.ge [sflag:s9], $0x4000  }
.Ltmp0:
0x20: {  	[sflag:s9] =	ssyncset.done $0x0;
	(pc) =	sbr.rel @p0 .LBB2_2-.Ltmp0, $4  }
0x21: {  	[sflag:s9] =	ssyncadd.s32 $0xFFFFC000  }
0x22: {  	[hbm4b:s11+s2] =	stream.linear.scatter [tilespmem:s8], [sflag:$0x2], $0x4000, $0x38;
	[tilespmem:$0x4080] =	vst v63  }
0x23: {  	_ =	swait.ge [sflag:s7], $0x4000  }
0x24: {  	s13 =	smov.u32 s15;
	s11 =	sadd.s32 $0x800, s11;
	[sflag:s7] =	ssyncset.done $0x0  }
0x25: {  	s12 =	sadd.s32 s12, s6;
	[sflag:s7] =	ssyncadd.s32 $0xFFFFC000  }
0x26: {  	[tilespmem:s2], [sflag:$0x2] =	stream.linear.gather [hbm4b:s12+s2], $0x80, $0x38;
	[tilespmem:$0x4080] =	vst v63  }
0x27: {  	_ =	swait.ge [sflag:s7], $0x80  }
0x28: {  	[sflag:s7] =	ssyncset.done $0x0  }
0x29: {  	[sflag:s7] =	ssyncadd.s32 $0xFFFFFF80  }
0x2a: {  	[tilespmem:s8], [sflag:$0x1] =	stream.indirect.gather [hbm4b:s3+s8], $0x80, s2, s8, $0xb8;
	[tilespmem:$0x4080] =	vst v63  }
0x2b: {  	s10 =	sadd.s32 $0x1, s10;
	_ =	swait.ge [sflag:s9], $0x4000  }
0x2c: {  	p0 =	sne.s32 s10, s4;
	[sflag:s9] =	ssyncset.done $0x0  }
.Ltmp1:
0x2d: {  	[sflag:s9] =	ssyncadd.s32 $0xFFFFC000;
	(pc) =	sbr.rel @p0 .LBB2_1-.Ltmp1, $4  }
0x2e: {  	[hbm4b:s11+s2] =	stream.linear.scatter [tilespmem:s8], [sflag:$0x2], $0x4000, $0x38;
	[tilespmem:$0x4080] =	vst v63  }
0x2f: {  	_ =	swait.ge [sflag:s7], $0x4000  }
0x30: {  	[sflag:s7] =	ssyncset.done $0x0  }
0x31: {  	[sflag:s7] =	ssyncadd.s32 $0xFFFFC000  }
0x32: {  	_ =	sfence.sel $0x180000  }
0x33: {  	[bflag:$0x0] =	sbarrier.arrive $0xFFFF  }
0x34: {  	p0 =	sne.s32 s1, $0x0;
	_ =	strace $0x9000004A  }
0x35: {  	s0 =	sadd.s32 @!p0 $0x100000, s0;
	[bflag:$0x2] =	sbarrier.arrive $0xFFFF  }
0x36: {  	[sflag:s0] =	ssyncadd.tile.s32 @!p0 $0x1;
	_ =	shalt  }
.Lfunc_end2:
_tile_overlayer_lowered:
.L_overlay_start_2:
0x37: {  	(tag) =	ssettag $0x2  }
0x38: {  	s0 =	rddreg [dreg:$0x0];
	s2 =	stileid.u32  }
0x39: {  	s1 =	rddreg [dreg:$0x1];
	p0 =	sne.s32 s2, $0x0  }
0x3a: {  	s3 =	rddreg [dreg:$0x2];
	[bflag:$0x3] =	sbarrier.arrive $0xFFFF;
	s2 =	simm.s32 @!p0 $0x1C02  }
0x3b: {  	[timem:s3], [sflag:s2] =	dma.local @!p0 [hbm:s0], s1  }
0x3c: {  	s0 =	simm.s32 @!p0 $0x2  }
0x3d: {  	_ =	swait.ge @!p0 [sflag:s0], s1  }
0x3e: {  	s1 =	ssub.s32 @!p0 $0x0, s1;
	[sflag:s0] =	ssyncset.done @!p0 $0x0  }
0x3f: {  	[sflag:s0] =	ssyncadd.s32 @!p0 s1  }
0x40: {  	[bflag:$0x3] =	sbarrier.arrive $0xFFFF  }
0x41: {  	_ =	shalt  }

// kernel: kernel.7.cloned.1.call-start
scs
__scs_entry_jumppad:
0x0: {  	(pc) =	sbr.rel $0x88, $3  }
0x1: {  	(tag) =	ssettag $0x0;
	lr =	simm.s32 $0x1  }
0x2: {  	[smem:$0x3F96] =	sst lr;
	_ =	strace $0xD0000000  }
0x3: {  	_ = 	snop  }
0x4: {  	_ = 	snop  }
0x5: {  	_ = 	snop  }
0x6: {  	_ = 	snop  }
0x7: {  	_ = 	snop  }
__scs_overlays_trampoline_lowered:
0x8: {  	[smem:$0x3FA5] =	sst s0  }
0x9: {  	[smem:$0x3FA6] =	sst s1  }
0xa: {  	[smem:$0x3FA7] =	sst s2  }
0xb: {  	[smem:$0x3FA8] =	sst s3  }
0xc: {  	[smem:$0x3FA9] =	sst s4  }
0xd: {  	[smem:$0x3FAA] =	sst s5  }
0xe: {  	[smem:$0x3FAB] =	sst s6  }
0xf: {  	[smem:$0x3FAC] =	sst s7  }
0x10: {  	[smem:$0x3FAD] =	sst s8  }
0x11: {  	[smem:$0x3FAE] =	sst s9;
	s0 =	simm.s32 @!p0 $0x0  }
0x12: {  	s1 =	sld [smem:$0x3F94];
	s0 =	simm.s32 @p0 $0x1  }
0x13: {  	[smem:$0x3FAF] =	sst s0;
	s0 =	simm.s32 @!p1 $0x0  }
0x14: {  	s2 =	sld [smem:$0x3F93];
	s0 =	simm.s32 @p1 $0x1  }
0x15: {  	[smem:$0x3FB0] =	sst s0;
	s0 =	simm.s32 @!p2 $0x0  }
0x16: {  	s3 =	sld [smem:$0x3FDB];
	s0 =	simm.s32 @p2 $0x1  }
0x17: {  	s4 =	simm.s32 $0x1BF5;
	[smem:$0x3FB2] =	sst s0  }
0x18: {  	s0 =	sld [smem:$0x3F95];
	_ =	swait.ge [sflag:s4], $0x0  }
0x19: {  	s7 =	sld [smem:$0x3F96]  }
0x1a: {  	s8 =	sadd.s32 $0xFFFFE003, lr  }
0x1b: {  	s9 =	sadd.s32 $0xFFFFFEF7, lr;
	s5 =	simm.s32 $0xFFFFFFFF;
	p2 =	slt.u32 s8, $0xFFFFF086  }
0x1c: {  	p1 =	slt.u32 s9, $0xF7A;
	s5 =	simm.s32 @!p2 $0x0  }
0x1d: {  	s5 =	simm.s32 @p1 $0x1;
	p0 =	seq.s32 s7, s2  }
0x1e: {  	s7 =	smul.u32 @!p0 $0xF7A, s2;
	p2 =	seq.s32 @!p0 s5, $0x0  }
0x1f: {  	s9 =	smul.u32 $0xF7A, s1;
	s8 =	simm.s32 @!p0 $0x1BF5;
	p2 =	por !p2, p0  }
0x20: {  	[sflag:s8] =	ssyncset.s32 @!p0 $0xFFFFF086;
	s6 =	sadd.s32 @!p0 s3, s7;
	s7 =	simm.s32 @!p0 $0x108  }
0x21: {  	s3 =	sadd.s32 s3, s9;
	s6 =	sadd.s32 @!p0 $0x88, s6;
	s7 =	simm.s32 @p2 $0x1082  }
0x22: {  	[simem:s7], [sflag:s8] =	dma.local @!p0 [hbm:s6], $0xF7A  }
0x23: {  	s9 =	sor.u32 $0xD0000000, s2;
	s6 =	simm.s32 $0x108;
	_ =	swait.ge @!p0 [sflag:s8], $0x0  }
0x24: {  	s3 =	sadd.s32 $0x88, s3;
	s6 =	simm.s32 @!p1 $0x1082;
	[sflag:s4] =	ssyncset.s32 $0xFFFFF086  }
0x25: {  	[simem:s6], [sflag:s4] =	dma.local [hbm:s3], $0xF7A  }
0x26: {  	[smem:$0x3F96] =	sst s1;
	(tag) =	ssettag s2;
	_ =	strace s9  }
0x27: {  	s1 =	sld [smem:$0x3FA6]  }
0x28: {  	s2 =	sld [smem:$0x3FA7]  }
0x29: {  	s4 =	sld [smem:$0x3FA9]  }
0x2a: {  	p0 =	seq.s32 s5, $0x0;
	s5 =	sld [smem:$0x3FAA]  }
0x2b: {  	s6 =	sld [smem:$0x3FAB]  }
0x2c: {  	s7 =	sld [smem:$0x3FAC]  }
0x2d: {  	s3 =	simm.s32 $0x108;
	s8 =	sld [smem:$0x3FAD]  }
0x2e: {  	s3 =	simm.s32 @!p0 $0x1082;
	s9 =	sld [smem:$0x3FAE]  }
0x2f: {  	lr =	sadd.s32 s0, s3;
	s0 =	sld [smem:$0x3FA5]  }
0x30: {  	s3 =	sld [smem:$0x3FA8]  }
0x31: {  	[smem:$0x3FB1] =	sst s10  }
0x32: {  	s10 =	sld [smem:$0x3FAF];
	_ =	sdelay $0x3  }
0x33: {  	p0 =	seq.s32 s10, $0x1;
	s10 =	sld [smem:$0x3FB1];
	_ =	sdelay $0x3  }
0x34: {  	[smem:$0x3FB1] =	sst s10  }
0x35: {  	s10 =	sld [smem:$0x3FB0];
	_ =	sdelay $0x3  }
0x36: {  	p1 =	seq.s32 s10, $0x1;
	s10 =	sld [smem:$0x3FB1];
	_ =	sdelay $0x3  }
0x37: {  	[smem:$0x3FB1] =	sst s10  }
0x38: {  	s10 =	sld [smem:$0x3FB2]  }
0x39: {  	_ = 	snop;
	(pc) =	sbr.ind lr, $3  }
0x3a: {  	_ = 	snop  }
0x3b: {  	_ = 	snop  }
0x3c: {  	p2 =	seq.s32 s10, $0x1;
	s10 =	sld [smem:$0x3FB1]  }
0x3d: {  	_ =	shalt  }
0x3e: {  	_ =	shalt  }
0x3f: {  	_ =	shalt  }
0x40: {  	_ =	shalt  }
0x41: {  	_ =	shalt  }
0x42: {  	_ =	shalt  }
0x43: {  	_ =	shalt  }
0x44: {  	_ =	shalt  }
0x45: {  	_ =	shalt  }
0x46: {  	_ =	shalt  }
0x47: {  	_ =	shalt  }
0x48: {  	_ =	shalt  }
0x49: {  	_ =	shalt  }
0x4a: {  	_ =	shalt  }
0x4b: {  	_ =	shalt  }
0x4c: {  	_ =	shalt  }
0x4d: {  	_ =	shalt  }
0x4e: {  	_ =	shalt  }
0x4f: {  	_ =	shalt  }
0x50: {  	_ =	shalt  }
0x51: {  	_ =	shalt  }
0x52: {  	_ =	shalt  }
0x53: {  	_ =	shalt  }
0x54: {  	_ =	shalt  }
0x55: {  	_ =	shalt  }
0x56: {  	_ =	shalt  }
0x57: {  	_ =	shalt  }
0x58: {  	_ =	shalt  }
0x59: {  	_ =	shalt  }
0x5a: {  	_ =	shalt  }
0x5b: {  	_ =	shalt  }
0x5c: {  	_ =	shalt  }
0x5d: {  	_ =	shalt  }
0x5e: {  	_ =	shalt  }
0x5f: {  	_ =	shalt  }
0x60: {  	_ =	shalt  }
0x61: {  	_ =	shalt  }
0x62: {  	_ =	shalt  }
0x63: {  	_ =	shalt  }
0x64: {  	_ =	shalt  }
0x65: {  	_ =	shalt  }
0x66: {  	_ =	shalt  }
0x67: {  	_ =	shalt  }
0x68: {  	_ =	shalt  }
0x69: {  	_ =	shalt  }
0x6a: {  	_ =	shalt  }
0x6b: {  	_ =	shalt  }
0x6c: {  	_ =	shalt  }
0x6d: {  	_ =	shalt  }
0x6e: {  	_ =	shalt  }
0x6f: {  	_ =	shalt  }
0x70: {  	_ =	shalt  }
0x71: {  	_ =	shalt  }
0x72: {  	_ =	shalt  }
0x73: {  	_ =	shalt  }
0x74: {  	_ =	shalt  }
0x75: {  	_ =	shalt  }
0x76: {  	_ =	shalt  }
0x77: {  	_ =	shalt  }
0x78: {  	_ =	shalt  }
0x79: {  	_ =	shalt  }
0x7a: {  	_ =	shalt  }
0x7b: {  	_ =	shalt  }
0x7c: {  	_ =	shalt  }
0x7d: {  	_ =	shalt  }
0x7e: {  	_ =	shalt  }
0x7f: {  	_ =	shalt  }
0x80: {  	_ =	shalt  }
0x81: {  	_ =	shalt  }
0x82: {  	_ =	shalt  }
0x83: {  	_ =	shalt  }
0x84: {  	_ =	shalt  }
0x85: {  	_ =	shalt  }
0x86: {  	_ =	shalt  }
0x87: {  	_ =	shalt  }
.Lfunc_end0:
.L_simem_size_0:
called_computation_lowered:
.L_overlay_start_0:
0x88: {  	s2 =	sld [smem:$0x3FD9]  }
0x89: {  	s3 =	sld [smem:$0x3FFE];
	_ =	sdelay $0x1  }
0x8a: {  	s1 =	srdreg.scid  }
0x8b: {  	s0 =	sand.u32 $0x1, s1  }
0x8c: {  	s17 =	sshll.u32 s0, $0xA;
	s2 =	sadd.s32 s3, s2  }
0x8d: {  	s2 =	sadd.s32 s2, s17  }
0x8e: {  	[smem:$0x3FBD] =	sst s2  }
0x8f: {  	_ = 	snop  }
0x90: {  	s2 =	sld [smem:$0x3FD0];
	(tm) =	ssettm $0x1  }
0x91: {  	s18 =	sld [smem:$0x3FFB];
	_ =	sdelay $0x3  }
0x92: {  	_ =	strace s18  }
0x93: {  	s3 =	sld [smem:$0x3FFC];
	_ =	sdelay $0x3  }
0x94: {  	_ =	strace s3  }
0x95: {  	s3 =	sld [smem:$0x3FFD];
	_ =	sdelay $0x3  }
0x96: {  	_ =	strace s3  }
0x97: {  	_ =	strace $0x8FFFFFFF  }
0x98: {  	s19 =	sld [smem:$0x3FDB];
	_ =	sdelay $0x1  }
0x99: {  	s4 =	simm.s32 $_scs_section_size  }
0x9a: {  	s5 =	simm.s32 $_size__tile_overlayer_lowered;
	s6 =	simm.s32 $_tile_overlayer_lowered  }
0x9b: {  	s22 =	simm.s32 $0x1BFF;
	s21 =	sshll.u32 s6, $0x1;
	s3 =	sadd.s32 s4, s19  }
0x9c: {  	s7 =	simm.s32 $0x0;
	s20 =	sshll.u32 s5, $0x1;
	s5 =	sadd.s32 s21, s3  }
0x9d: {  	[timem:s7], [sflag:s22] =	dma.local [hbm:s5], s20  }
0x9e: {  	_ =	swait.ge [sflag:s22], s20  }
0x9f: {  	s4 =	ssub.s32 $0x0, s20;
	[sflag:s22] =	ssyncset.done $0x0  }
0xa0: {  	[sflag:s22] =	ssyncadd.s32 s4;
	_ =	sdelay $0x1  }
0xa1: {  	s23 =	simm.s32 $0x1B8B  }
0xa2: {  	_ =	swait.ge [sflag:s23], $0x1  }
0xa3: {  	[sflag:s23] =	ssyncset.done $0x0  }
0xa4: {  	s25 =	simm.s32 $0x1B8E;
	s24 =	sld [smem:$0x3FFE];
	[sflag:s23] =	ssyncadd.s32 $0xFFFFFFFF  }
0xa5: {  	s26 =	simm.s32 $execute0_lowered;
	[smem:$0x3FD2] =	sst s25  }
0xa6: {  	s5 =	sshll.u32 s26, $0x1;
	_ =	strace $0x80000046;
	[dreg:$0x1] =	wrdreg $0xFFFFFFFF  }
0xa7: {  	s28 =	simm.s32 $_size_execute0_lowered;
	s3 =	sadd.s32 s3, s5;
	[dreg:$0x0] =	wrdreg $0x0  }
0xa8: {  	s5 =	sshll.u32 s28, $0x1;
	[dreg:$0x2] =	wrdreg s3  }
0xa9: {  	[dreg:$0x3] =	wrdreg s5  }
0xaa: {  	[dreg:$0x4] =	wrdreg $0xC0  }
0xab: {  	_ =	task [dreg:s7], $0x5FFFF  }
0xac: {  	[dreg:$0x1] =	wrdreg $0xFFFFFFFF  }
0xad: {  	[dreg:$0x0] =	wrdreg $0x60  }
0xae: {  	[dreg:$0x2] =	wrdreg s24  }
0xaf: {  	[dreg:$0x3] =	wrdreg s2  }
0xb0: {  	[dreg:$0x4] =	wrdreg $0x9  }
0xb1: {  	_ =	task.clear_ibuf [dreg:s7], $0x5FFFF;
	_ =	strace $0x90000046  }
0xb2: {  	s29 =	simm.s32 $0x9;
	_ =	strace $0x80000048  }
0xb3: {  	_ =	swait.ge [sflag:s29], $0x1  }
0xb4: {  	[sflag:s29] =	ssyncadd.s32 $0xFFFFFFFF  }
0xb5: {  	_ =	strace $0x90000048  }
0xb6: {  	_ =	sfence  }
0xb7: {  	s30 =	sld [smem:$0x0];
	_ =	sdelay $0x2  }
0xb8: {  	s31 =	sshll.u32 s1, $0xD;
	s1 =	sshrl.u32 s1, $0x2  }
0xb9: {  	s3 =	sand.u32 $0x4000, s31;
	s1 =	sadd.s32 s1, s30  }
0xba: {  	s0 =	sor.u32 s3, s0;
	s1 =	sshll.u32 s1, $0x11  }
0xbb: {  	s0 =	sor.u32 s1, s0  }
0xbc: {  	s0 =	sadd.s32 $0x8F2B, s0  }
0xbd: {  	[sflag:s0] =	ssyncadd.remote.s32 $0x1  }
0xbe: {  	_ =	sfence.sel $0xFFFF  }
0xbf: {  	[dreg:$0x0] =	wrdreg $0xFFFFFFFF;
	(pc) =	sbr.abs _section_cstart, $3  }
0xc0: {  	[dreg:$0x1] =	wrdreg $0xFFFFFFFF  }
0xc1: {  	_ =	task.clear_ibuf [dreg:s7], $0x2FFFF;
	_ =	strace $0x9FFFFFFF  }
0xc2: {  	(tm) =	ssettm $0x7FFFFFFF  }
0xc3: {  	_ =	shalt  }
tec
execute0_lowered:
.L_overlay_start_1:
0x0: {  	(tag) =	ssettag $0x1  }
0x1: {  	s4 =	rddreg [dreg:$0x0]  }
0x2: {  	s6 =	rddreg [dreg:$0x1]  }
0x3: {  	s0 =	rddreg [dreg:$0x2];
	s2 =	simm.s32 $0x0;
	s1 =	stileid.u32  }
0x4: {  	s3 =	srdreg.scid;
	[smem:$0x7FF] =	sst s2  }
0x5: {  	s5 =	sshll.u32 s1, $0x12;
	s7 =	sand.u32 $0x1, s3;
	s3 =	sadd.s32 $0x82800, s4  }
0x6: {  	s9 =	sshll.u32 s1, $0xE;
	_ =	strace $0x80000047;
	s5 =	sadd.s32 s5, s4  }
0x7: {  	s29 =	ssub.s32 $0x2, s7;
	s10 =	sshll.u32 s7, $0xD;
	s7 =	sshll.u32 s7, $0x11  }
0x8: {  	s8 =	sshrl.u32 s29, $0x1;
	s30 =	sor.u32 s10, s9;
	s5 =	sadd.s32 s7, s5  }
0x9: {  	s7 =	simm.s32 $0x2;
	s9 =	simm.s32 $0x1;
	s10 =	simm.s32 $0x0  }
0xa: {  	s4 =	ssub.s32 s29, s8;
	s31 =	sshrl.u32 s30, $0x3;
	s5 =	sadd.s32 $0xC2800, s5  }
0xb: {  	s8 =	simm.s32 $0x80;
	s4 =	smax.u32 s4, $0x1;
	s6 =	sadd.s32 s31, s6  }
.LBB2_1:
0xc: {  	s11 =	sadd.s32 $0x0, s6  }
0xd: {  	[tilespmem:s2], [sflag:$0x2] =	stream.linear.gather [hbm4b:s11+s2], $0x80, $0x38;
	[tilespmem:$0x4080] =	vst v63  }
0xe: {  	_ =	swait.ge [sflag:s7], $0x80  }
0xf: {  	[sflag:s7] =	ssyncset.done $0x0  }
0x10: {  	[sflag:s7] =	ssyncadd.s32 $0xFFFFFF80  }
0x11: {  	[tilespmem:s8], [sflag:$0x1] =	stream.indirect.gather [hbm4b:s3+s8], $0x80, s2, s8, $0xb8;
	[tilespmem:$0x4080] =	vst v63  }
0x12: {  	_ =	swait.ge [sflag:s9], $0x4000  }
0x13: {  	[sflag:s9] =	ssyncset.done $0x0  }
0x14: {  	[sflag:s9] =	ssyncadd.s32 $0xFFFFC000  }
0x15: {  	[hbm4b:s5+s2] =	stream.linear.scatter [tilespmem:s8], [sflag:$0x2], $0x4000, $0x38;
	[tilespmem:$0x4080] =	vst v63  }
0x16: {  	s12 =	simm.s32 $0x10;
	_ =	swait.ge [sflag:s7], $0x4000  }
0x17: {  	s13 =	simm.s32 $0x20;
	s11 =	sadd.s32 $0x800, s5;
	[sflag:s7] =	ssyncset.done $0x0  }
.LBB2_2:
0x18: {  	s14 =	sadd.s32 s12, s6  }
0x19: {  	[sflag:s7] =	ssyncadd.s32 $0xFFFFC000;
	s12 =	smov.u32 s13;
	s15 =	sadd.s32 $0x10, s13  }
0x1a: {  	[tilespmem:s2], [sflag:$0x2] =	stream.linear.gather [hbm4b:s14+s2], $0x80, $0x38;
	[tilespmem:$0x4080] =	vst v63  }
0x1b: {  	p0 =	sne.s32 s13, $0x3F0;
	_ =	swait.ge [sflag:s7], $0x80  }
0x1c: {  	[sflag:s7] =	ssyncset.done $0x0  }
0x1d: {  	[sflag:s7] =	ssyncadd.s32 $0xFFFFFF80  }
0x1e: {  	[tilespmem:s8], [sflag:$0x1] =	stream.indirect.gather [hbm4b:s3+s8], $0x80, s2, s8, $0xb8;
	[tilespmem:$0x4080] =	vst v63  }
0x1f: {  	_ =	swait.ge [sflag:s9], $0x4000  }
.Ltmp0:
0x20: {  	[sflag:s9] =	ssyncset.done $0x0;
	(pc) =	sbr.rel @p0 .LBB2_2-.Ltmp0, $4  }
0x21: {  	[sflag:s9] =	ssyncadd.s32 $0xFFFFC000  }
0x22: {  	[hbm4b:s11+s2] =	stream.linear.scatter [tilespmem:s8], [sflag:$0x2], $0x4000, $0x38;
	[tilespmem:$0x4080] =	vst v63  }
0x23: {  	_ =	swait.ge [sflag:s7], $0x4000  }
0x24: {  	s13 =	smov.u32 s15;
	s11 =	sadd.s32 $0x800, s11;
	[sflag:s7] =	ssyncset.done $0x0  }
0x25: {  	s12 =	sadd.s32 s12, s6;
	[sflag:s7] =	ssyncadd.s32 $0xFFFFC000  }
0x26: {  	[tilespmem:s2], [sflag:$0x2] =	stream.linear.gather [hbm4b:s12+s2], $0x80, $0x38;
	[tilespmem:$0x4080] =	vst v63  }
0x27: {  	_ =	swait.ge [sflag:s7], $0x80  }
0x28: {  	[sflag:s7] =	ssyncset.done $0x0  }
0x29: {  	[sflag:s7] =	ssyncadd.s32 $0xFFFFFF80  }
0x2a: {  	[tilespmem:s8], [sflag:$0x1] =	stream.indirect.gather [hbm4b:s3+s8], $0x80, s2, s8, $0xb8;
	[tilespmem:$0x4080] =	vst v63  }
0x2b: {  	s10 =	sadd.s32 $0x1, s10;
	_ =	swait.ge [sflag:s9], $0x4000  }
0x2c: {  	p0 =	sne.s32 s10, s4;
	[sflag:s9] =	ssyncset.done $0x0  }
.Ltmp1:
0x2d: {  	[sflag:s9] =	ssyncadd.s32 $0xFFFFC000;
	(pc) =	sbr.rel @p0 .LBB2_1-.Ltmp1, $4  }
0x2e: {  	[hbm4b:s11+s2] =	stream.linear.scatter [tilespmem:s8], [sflag:$0x2], $0x4000, $0x38;
	[tilespmem:$0x4080] =	vst v63  }
0x2f: {  	_ =	swait.ge [sflag:s7], $0x4000  }
0x30: {  	[sflag:s7] =	ssyncset.done $0x0  }
0x31: {  	[sflag:s7] =	ssyncadd.s32 $0xFFFFC000  }
0x32: {  	_ =	sfence.sel $0x180000  }
0x33: {  	[bflag:$0x0] =	sbarrier.arrive $0xFFFF  }
0x34: {  	p0 =	sne.s32 s1, $0x0;
	_ =	strace $0x90000047  }
0x35: {  	s0 =	sadd.s32 @!p0 $0x100000, s0;
	[bflag:$0x2] =	sbarrier.arrive $0xFFFF  }
0x36: {  	[sflag:s0] =	ssyncadd.tile.s32 @!p0 $0x1;
	_ =	shalt  }
.Lfunc_end2:
_tile_overlayer_lowered:
.L_overlay_start_2:
0x37: {  	(tag) =	ssettag $0x2  }
0x38: {  	s0 =	rddreg [dreg:$0x0];
	s2 =	stileid.u32  }
0x39: {  	s1 =	rddreg [dreg:$0x1];
	p0 =	sne.s32 s2, $0x0  }
0x3a: {  	s3 =	rddreg [dreg:$0x2];
	[bflag:$0x3] =	sbarrier.arrive $0xFFFF;
	s2 =	simm.s32 @!p0 $0x1C02  }
0x3b: {  	[timem:s3], [sflag:s2] =	dma.local @!p0 [hbm:s0], s1  }
0x3c: {  	s0 =	simm.s32 @!p0 $0x2  }
0x3d: {  	_ =	swait.ge @!p0 [sflag:s0], s1  }
0x3e: {  	s1 =	ssub.s32 @!p0 $0x0, s1;
	[sflag:s0] =	ssyncset.done @!p0 $0x0  }
0x3f: {  	[sflag:s0] =	ssyncadd.s32 @!p0 s1  }
0x40: {  	[bflag:$0x3] =	sbarrier.arrive $0xFFFF  }
0x41: {  	_ =	shalt  }

</sc_bundles>
